<compile_context>
chip_gen: v7x
topology: tpu7x:2x2x1
jax: 0.10.2.dev20260603
libtpu: 0.0.44.dev20260713+nightly
codegen_flags: <defaults>
</compile_context>

<pallas_src>
import functools

import jax
import jax.numpy as jnp
from jax import lax
from jax.experimental import pallas as pl
from jax.experimental.pallas import tpu as pltpu
from jax.experimental.pallas import tpu_sc as plsc

N = 10000
M = 5000
E = 320000
D = 128

M_PAD = 5024
M_TRASH = 5008
NTILES = 32
EPW = E // NTILES
CPB = 1024
ICH = 16 * CPB

NEG_PACK = -8323200



def _u_body(x_ref, pos_ref, w_ref, u_ref):
    xw = jnp.dot(x_ref[...], w_ref[:D, :], preferred_element_type=jnp.float32)
    pw = jnp.dot(pos_ref[...], w_ref[D:, :], preferred_element_type=jnp.float32)
    u_ref[...] = xw + pw


def _ep_body(s_ref, op_ref, w_ref, b_ref, o_ref):
    pw = jnp.dot(op_ref[...], w_ref[D:, :], preferred_element_type=jnp.float32)
    o_ref[...] = jnp.maximum(s_ref[...] + (b_ref[...][None, :] - pw), 0.0)


def _compute_u(x, pos, W1):
    bn = 1000
    return pl.pallas_call(
        _u_body,
        grid=(N // bn,),
        in_specs=[
            pl.BlockSpec((bn, D), lambda i: (i, 0)),
            pl.BlockSpec((bn, 3), lambda i: (i, 0)),
            pl.BlockSpec((D + 3, D), lambda i: (0, 0)),
        ],
        out_specs=pl.BlockSpec((bn, D), lambda i: (i, 0)),
        out_shape=jax.ShapeDtypeStruct((N, D), jnp.float32),
    )(x, pos, W1)


def _epilogue(s, out_pos, W1, b1):
    bm = 1000
    return pl.pallas_call(
        _ep_body,
        grid=(M // bm,),
        in_specs=[
            pl.BlockSpec((bm, D), lambda i: (i, 0)),
            pl.BlockSpec((bm, 3), lambda i: (i, 0)),
            pl.BlockSpec((D + 3, D), lambda i: (0, 0)),
            pl.BlockSpec((D,), lambda i: (0,)),
        ],
        out_specs=pl.BlockSpec((bm, D), lambda i: (i, 0)),
        out_shape=jax.ShapeDtypeStruct((M, D), jnp.float32),
    )(s, out_pos, W1, b1)



def _scan_count_base():
    cz, _ = plsc.scan_count(jnp.zeros((16,), jnp.int32))
    return jnp.min(cz)


def _bin_body(src_hbm, dst_hbm, bedge_hbm, ibedge_hbm, counts_hbm,
              sbuf, dbuf, oedge, oint, cnt16, cur16, base16):
    wid = lax.axis_index("s") * 2 + lax.axis_index("c")
    base = wid * EPW
    pltpu.sync_copy(src_hbm.at[pl.ds(base, EPW)], sbuf)
    pltpu.sync_copy(dst_hbm.at[pl.ds(base, EPW)], dbuf)

    c0 = _scan_count_base()
    cnt16[...] = jnp.zeros((16,), jnp.int32)

    def count_body(i, _):
        dv = dbuf[pl.ds(i * 16, 16)]
        b = jnp.bitwise_and(dv, 15)
        cntv, lastv = plsc.scan_count(b)
        plsc.addupdate_scatter(cnt16, [b], cntv - c0 + 1, mask=lastv)
        return 0

    lax.fori_loop(0, EPW // 16, count_body, 0)

    counts = cnt16[...]
    bases = plsc.cumsum(counts) - counts
    cur16[...] = bases
    base16[...] = bases

    lanes = lax.broadcasted_iota(jnp.int32, (16,), 0)
    sentinel = M_TRASH + lanes

    def fill_body(i, _):
        oint[pl.ds(i * 16, 16)] = sentinel
        return 0

    lax.fori_loop(0, CPB, fill_body, 0)

    def scatter_body(i, _):
        sl = pl.ds(i * 16, 16)
        sv = sbuf[sl]
        dv = dbuf[sl]
        b = jnp.bitwise_and(dv, 15)
        cntv, lastv = plsc.scan_count(b)
        ew = jnp.left_shift(sv, 13) | dv
        pos = plsc.load_gather(cur16, [b]) + (cntv - c0)
        plsc.store_scatter(oedge, [pos], ew)
        o = pos - plsc.load_gather(base16, [b])
        plsc.store_scatter(oint, [jnp.left_shift(o, 4) | b], ew,
                           mask=o < CPB)
        plsc.addupdate_scatter(cur16, [b], cntv - c0 + 1, mask=lastv)
        return 0

    lax.fori_loop(0, EPW // 16, scatter_body, 0)

    pltpu.sync_copy(oedge, bedge_hbm.at[pl.ds(base, EPW)])
    pltpu.sync_copy(oint, ibedge_hbm.at[pl.ds(wid * ICH, ICH)])
    pltpu.sync_copy(cnt16, counts_hbm.at[wid])


def _bin_edges(src, dst):
    mesh = plsc.VectorSubcoreMesh(core_axis_name="c", subcore_axis_name="s")
    kfn = functools.partial(
        pl.kernel,
        mesh=mesh,
        compiler_params=pltpu.CompilerParams(needs_layout_passes=False),
        out_type=(
            jax.ShapeDtypeStruct((E,), jnp.int32),
            jax.ShapeDtypeStruct((NTILES * ICH,), jnp.int32),
            jax.ShapeDtypeStruct((NTILES, 16), jnp.int32),
        ),
        scratch_types=[
            pltpu.VMEM((EPW,), jnp.int32),
            pltpu.VMEM((EPW,), jnp.int32),
            pltpu.VMEM((EPW,), jnp.int32),
            pltpu.VMEM((ICH,), jnp.int32),
            pltpu.VMEM((16,), jnp.int32),
            pltpu.VMEM((16,), jnp.int32),
            pltpu.VMEM((16,), jnp.int32),
        ],
    )(_bin_body)
    return kfn(src, dst)


def _sc_body(upk, bedge_hbm, ibedge_hbm, counts_hbm, outT,
             u01, u23, a01, a23, cnts,
             ebuf0, ebuf1, ibuf0, ibuf1, es0, es1, is0, is1):
    us = (u01, u23)
    accs = (a01, a23)
    ebufs = (ebuf0, ebuf1)
    ibufs = (ibuf0, ibuf1)
    esems = (es0, es1)
    isems = (is0, is1)
    wid = lax.axis_index("s") * 2 + lax.axis_index("c")
    row0 = wid * 2

    pltpu.sync_copy(upk.at[row0], u01)
    pltpu.sync_copy(upk.at[row0 + 1], u23)
    pltpu.sync_copy(counts_hbm, cnts)

    minus_inf = jnp.full((16,), NEG_PACK, jnp.int32)

    def init_body(i, _):
        for a_j in accs:
            a_j[pl.ds(i * 16, 16)] = minus_inf
        return 0

    lax.fori_loop(0, M_PAD // 16, init_body, 0)

    def issue(k, b):
        pltpu.make_async_copy(bedge_hbm.at[pl.ds(k * EPW, EPW)],
                              ebufs[b], esems[b]).start()
        pltpu.make_async_copy(ibedge_hbm.at[pl.ds(k * ICH, ICH)],
                              ibufs[b].at[pl.ds(0, ICH)], isems[b]).start()

    def wait(k, b):
        pltpu.make_async_copy(bedge_hbm.at[pl.ds(k * EPW, EPW)],
                              ebufs[b], esems[b]).wait()
        pltpu.make_async_copy(ibedge_hbm.at[pl.ds(k * ICH, ICH)],
                              ibufs[b].at[pl.ds(0, ICH)], isems[b]).wait()

    lanes = lax.broadcasted_iota(jnp.int32, (16,), 0)

    def rmw(sv, dv, valid):
        gs = [plsc.load_gather(us[j], [sv], mask=valid) for j in range(2)]
        os_ = [plsc.load_gather(accs[j], [dv], mask=valid)
               for j in range(2)]
        ms = [plsc.bitcast(
                  jnp.maximum(plsc.bitcast(g, jnp.bfloat16),
                              plsc.bitcast(o, jnp.bfloat16)),
                  jnp.int32)
              for g, o in zip(gs, os_)]
        for j in range(2):
            plsc.store_scatter(accs[j], [dv], ms[j], mask=valid)

    def process(k, ebuf, ibuf):
        cntv = plsc.load_gather(cnts, [k * 16 + lanes])
        maxc = jnp.max(cntv)

        @pl.when(maxc <= CPB)
        def _fast():
            def fetch(i):
                return ibuf[pl.ds(i * 16, 16)]

            def vec_body(i, ev):
                sv = jnp.right_shift(ev, 13)
                dv = jnp.bitwise_and(ev, 8191)
                evb = fetch(2 * i + 1)
                rmw(sv, dv, None)
                svb = jnp.right_shift(evb, 13)
                dvb = jnp.bitwise_and(evb, 8191)
                nxt = fetch(2 * i + 2)
                rmw(svb, dvb, None)
                return nxt

            lax.fori_loop(0, (maxc + 1) // 2, vec_body, fetch(0))

        @pl.when(maxc > CPB)
        def _general():
            basev = plsc.cumsum(cntv) - cntv

            def fetch(i):
                ib = jnp.full((16,), 0, jnp.int32) + i
                valid = ib < cntv
                ev = plsc.load_gather(ebuf, [basev + ib], mask=valid)
                return ev, valid

            def vec_body(i, carry):
                ev, valid = carry
                sv = jnp.right_shift(ev, 13)
                dv = jnp.bitwise_and(ev, 8191)
                nxt = fetch(i + 1)
                rmw(sv, dv, valid)
                return nxt

            lax.fori_loop(0, maxc, vec_body, fetch(0))

    issue(0, 0)

    def outer(g, _):
        for b in range(2):
            k = 2 * g + b

            @pl.when(k + 1 < NTILES)
            def _():
                issue(k + 1, 1 - b)

            wait(k, b)
            process(k, ebufs[b], ibufs[b])
        return 0

    lax.fori_loop(0, NTILES // 2, outer, 0)

    pltpu.sync_copy(a01, outT.at[row0])
    pltpu.sync_copy(a23, outT.at[row0 + 1])


def _sc_scatter_max(upk, bedge, ibedge, counts):
    mesh = plsc.VectorSubcoreMesh(core_axis_name="c", subcore_axis_name="s")
    kfn = functools.partial(
        pl.kernel,
        mesh=mesh,
        compiler_params=pltpu.CompilerParams(needs_layout_passes=False),
        out_type=jax.ShapeDtypeStruct((D // 2, M_PAD), jnp.int32),
        scratch_types=[
            pltpu.VMEM((N,), jnp.int32),
            pltpu.VMEM((N,), jnp.int32),
            pltpu.VMEM((M_PAD,), jnp.int32),
            pltpu.VMEM((M_PAD,), jnp.int32),
            pltpu.VMEM((NTILES * 16,), jnp.int32),
            pltpu.VMEM((EPW,), jnp.int32),
            pltpu.VMEM((EPW,), jnp.int32),
            pltpu.VMEM((ICH + 16,), jnp.int32),
            pltpu.VMEM((ICH + 16,), jnp.int32),
            pltpu.SemaphoreType.DMA,
            pltpu.SemaphoreType.DMA,
            pltpu.SemaphoreType.DMA,
            pltpu.SemaphoreType.DMA,
        ],
    )(_sc_body)
    return kfn(upk, bedge, ibedge, counts)


def kernel(x, pos, out_pos, edge_index, W1, b1):
    u = _compute_u(x, pos, W1)
    upk = jax.lax.bitcast_convert_type(
        u.astype(jnp.bfloat16).reshape(N, D // 2, 2), jnp.int32)
    src = edge_index[0]
    dst = edge_index[1]
    bedge, ibedge, counts = _bin_edges(src, dst)
    outT = _sc_scatter_max(upk.T, bedge, ibedge, counts.reshape(-1))
    s = jax.lax.bitcast_convert_type(
        outT.T[:M], jnp.bfloat16).reshape(M, D).astype(jnp.float32)
    agg = _epilogue(s, out_pos, W1, b1)
    return (agg, out_pos)

# --- scband reference (transcript-rebuilt; emitter-appended) ---
"""Pipeline reference for scband-samodule-predefined-adj-52999896432944 (READ-ONLY COPY).

The authoritative reference and input builder live on the scoring server;
editing this copy changes nothing except your own understanding.
"""

import jax, jax.numpy as jnp
import numpy as np

N = 10000
M = 5000
E = 320000
D = 128


def setup_inputs(seed: int = 0) -> dict:
    key = jax.random.key(seed)
    ks = jax.random.split(key, 8)
    x = jax.random.normal(ks[0], (N, D), dtype=jnp.float32)
    pos = jax.random.normal(ks[1], (N, 3), dtype=jnp.float32)
    out_pos = jax.random.normal(ks[2], (M, 3), dtype=jnp.float32)
    src = jax.random.randint(ks[3], (E,), 0, N, dtype=jnp.int32)
    dst = jax.random.randint(ks[4], (E,), 0, M, dtype=jnp.int32)
    edge_index = jnp.stack([src, dst], axis=0)
    # local nn of PointConv: MLP [131 -> 128] with ReLU
    W1 = jax.random.normal(ks[5], (D + 3, D), dtype=jnp.float32) * (1.0 / np.sqrt(D + 3))
    b1 = jnp.zeros((D,), dtype=jnp.float32)
    return {"x": x, "pos": pos, "out_pos": out_pos, "edge_index": edge_index, "W1": W1, "b1": b1}


def reference(x, pos, out_pos, edge_index, W1, b1):
    # PointNetConv (PyG PointConv) with predefined bipartite adjacency, add_self_loops=False
    src = edge_index[0]
    dst = edge_index[1]
    x_j = jnp.take(x, src, axis=0)                       # gather source features  [E, D]
    rel_pos = jnp.take(pos, src, axis=0) - jnp.take(out_pos, dst, axis=0)  # [E, 3]
    msg = jnp.concatenate([x_j, rel_pos], axis=1)        # [E, D+3]
    h = jax.nn.relu(msg @ W1 + b1)                       # local_nn per edge [E, D]
    agg = jax.ops.segment_max(h, dst, num_segments=M)    # max aggregation per dst node
    agg = jnp.where(jnp.isneginf(agg), 0.0, agg)         # empty segments -> 0 (PyG fill)
    return (agg, out_pos)

if __name__ == "__main__":
    import jax
    _d = setup_inputs()
    print(jax.jit(kernel)(*tuple(_d.values())))

</pallas_src>

<mosaic_0001>
#map = affine_map<(d0, d1) -> (0)>
#map1 = affine_map<(d0, d1) -> (0, 0)>
module attributes {stable_mosaic.version = 14 : i64} {
  func.func @_bin_body(%arg0: i32, %arg1: i32, %arg2: memref<320000xi32, #tpu.memory_space<hbm>>, %arg3: memref<320000xi32, #tpu.memory_space<hbm>>, %arg4: memref<320000xi32, #tpu.memory_space<hbm>>, %arg5: memref<524288xi32, #tpu.memory_space<hbm>>, %arg6: memref<32x16xi32, #tpu.memory_space<hbm>>, %arg7: memref<10000xi32, #tpu.memory_space<vmem>>, %arg8: memref<10000xi32, #tpu.memory_space<vmem>>, %arg9: memref<10000xi32, #tpu.memory_space<vmem>>, %arg10: memref<16384xi32, #tpu.memory_space<vmem>>, %arg11: memref<16xi32, #tpu.memory_space<vmem>>, %arg12: memref<16xi32, #tpu.memory_space<vmem>>, %arg13: memref<16xi32, #tpu.memory_space<vmem>>) attributes {dimension_semantics = [#tpu.dimension_semantics<core_parallel>, #tpu.dimension_semantics<subcore_parallel>], iteration_bounds = array<i64: 2, 16>, scalar_prefetch = 0 : i64, scratch_operands = 7 : i64, tpu.core_type = #tpu.core_type<sc_vector_subcore>, window_params = [{transform_indices = #map}, {transform_indices = #map}, {transform_indices = #map}, {transform_indices = #map}, {transform_indices = #map1}]} {
    %mul3A = arith.constant 2 : i32
    %mul3A_0 = arith.muli %arg1, %mul3A : i32
    %add3A = arith.addi %mul3A_0, %arg0 : i32
    %mul3A_1 = arith.constant 10000 : i32
    %mul3A_2 = arith.muli %add3A, %mul3A_1 : i32
    "tpu.region"() ({
      %run_scoped3A = tpu.sem_alloc : memref<!tpu.dma_semaphore, #tpu.memory_space<semaphore_mem>>
      %dma_start3A = tpu.memref_slice %arg2[%mul3A_2] : memref<320000xi32, #tpu.memory_space<hbm>> -> memref<10000xi32, #tpu.memory_space<hbm>>
      %dma_start3A_49 = tpu.memref_slice %arg2[%mul3A_2] : memref<320000xi32, #tpu.memory_space<hbm>> -> memref<10000xi32, #tpu.memory_space<hbm>>
      tpu.enqueue_dma source(%dma_start3A_49 : memref<10000xi32, #tpu.memory_space<hbm>>) target(%arg7 : memref<10000xi32, #tpu.memory_space<vmem>>) target_semaphore(%run_scoped3A : memref<!tpu.dma_semaphore, #tpu.memory_space<semaphore_mem>>)
      %dma_wait3A = tpu.memref_slice %arg2[%mul3A_2] : memref<320000xi32, #tpu.memory_space<hbm>> -> memref<10000xi32, #tpu.memory_space<hbm>>
      %dma_wait3A_50 = tpu.memref_slice %arg2[%mul3A_2] : memref<320000xi32, #tpu.memory_space<hbm>> -> memref<10000xi32, #tpu.memory_space<hbm>>
      tpu.wait_dma2 semaphore(%run_scoped3A : memref<!tpu.dma_semaphore, #tpu.memory_space<semaphore_mem>>) src(%dma_wait3A_50 : memref<10000xi32, #tpu.memory_space<hbm>>) dst(%arg7 : memref<10000xi32, #tpu.memory_space<vmem>>)
      tpu.yield
    }) : () -> ()
    "tpu.region"() ({
      %run_scoped3A = tpu.sem_alloc : memref<!tpu.dma_semaphore, #tpu.memory_space<semaphore_mem>>
      %dma_start3A = tpu.memref_slice %arg3[%mul3A_2] : memref<320000xi32, #tpu.memory_space<hbm>> -> memref<10000xi32, #tpu.memory_space<hbm>>
      %dma_start3A_49 = tpu.memref_slice %arg3[%mul3A_2] : memref<320000xi32, #tpu.memory_space<hbm>> -> memref<10000xi32, #tpu.memory_space<hbm>>
      tpu.enqueue_dma source(%dma_start3A_49 : memref<10000xi32, #tpu.memory_space<hbm>>) target(%arg8 : memref<10000xi32, #tpu.memory_space<vmem>>) target_semaphore(%run_scoped3A : memref<!tpu.dma_semaphore, #tpu.memory_space<semaphore_mem>>)
      %dma_wait3A = tpu.memref_slice %arg3[%mul3A_2] : memref<320000xi32, #tpu.memory_space<hbm>> -> memref<10000xi32, #tpu.memory_space<hbm>>
      %dma_wait3A_50 = tpu.memref_slice %arg3[%mul3A_2] : memref<320000xi32, #tpu.memory_space<hbm>> -> memref<10000xi32, #tpu.memory_space<hbm>>
      tpu.wait_dma2 semaphore(%run_scoped3A : memref<!tpu.dma_semaphore, #tpu.memory_space<semaphore_mem>>) src(%dma_wait3A_50 : memref<10000xi32, #tpu.memory_space<hbm>>) dst(%arg8 : memref<10000xi32, #tpu.memory_space<vmem>>)
      tpu.yield
    }) : () -> ()
    %broadcast_in_dim3A = arith.constant 0 : i32
    %broadcast_in_dim3A_3 = vector.broadcast %broadcast_in_dim3A : i32 to vector<16xi32>
    %broadcast_in_dim3A_4 = arith.constant true
    %broadcast_in_dim3A_5 = vector.broadcast %broadcast_in_dim3A_4 : i1 to vector<16xi1>
    %unique3A, %unique3A_6 = tpu.scan_count mask(%broadcast_in_dim3A_5 : vector<16xi1>) value(%broadcast_in_dim3A_3 : vector<16xi32>) : vector<16xi1>, vector<16xi32>
    %reduce_min3A = arith.constant true
    %reduce_min3A_7 = vector.broadcast %reduce_min3A : i1 to vector<16xi1>
    %reduce_min3A_8 = arith.constant -2147483648 : i32
    %reduce_min3A_9 = vector.broadcast %reduce_min3A_8 : i32 to vector<16xi32>
    %reduce_min3A_10 = arith.xori %unique3A_6, %reduce_min3A_9 : vector<16xi32>
    %reduce_min3A_11 = tpu.scan <min>, %reduce_min3A_10 masked %reduce_min3A_7 : vector<16xi32>, vector<16xi1> -> vector<16xi32>
    %reduce_min3A_12 = arith.xori %reduce_min3A_11, %reduce_min3A_9 : vector<16xi32>
    %reduce_min3A_13 = vector.extract %reduce_min3A_12[15] : i32 from vector<16xi32>
    %broadcast_in_dim3A_14 = arith.constant 0 : i32
    %broadcast_in_dim3A_15 = vector.broadcast %broadcast_in_dim3A_14 : i32 to vector<16xi32>
    %swap3A = arith.constant 0 : index
    %swap3A_16 = tpu.vector_load %arg11[%swap3A] {strides = array<i32>} : memref<16xi32, #tpu.memory_space<vmem>>, vector<16xi32>,
    tpu.vector_store %arg11[%swap3A], %broadcast_in_dim3A_15 {strides = array<i32>} : memref<16xi32, #tpu.memory_space<vmem>>, vector<16xi32>,
    %scan3A = arith.constant 0 : i32
    %scan3A_17 = arith.constant 0 : i32
    %scan3A_18 = arith.constant 625 : i32
    %scan3A_19 = arith.addi %scan3A_17, %scan3A_18 : i32
    %scan3A_20 = arith.constant 1 : i32
    %scan3A_21 = scf.for %scan3A_49 = %scan3A_17 to %scan3A_19 step %scan3A_20 iter_args(%scan3A_50 = %scan3A) -> (i32)  : i32 {
      %mul3A_51 = arith.constant 16 : i32
      %mul3A_52 = arith.muli %scan3A_49, %mul3A_51 : i32
      %get3A_53 = arith.index_cast %mul3A_52 : i32 to index
      %get3A_54 = tpu.vector_load %arg8[%get3A_53] {strides = array<i32>} : memref<10000xi32, #tpu.memory_space<vmem>>, vector<16xi32>,
      %and3A = arith.constant 15 : i32
      %and3A_55 = vector.broadcast %and3A : i32 to vector<16xi32>
      %and3A_56 = arith.andi %get3A_54, %and3A_55 : vector<16xi32>
      %broadcast_in_dim3A_57 = arith.constant true
      %broadcast_in_dim3A_58 = vector.broadcast %broadcast_in_dim3A_57 : i1 to vector<16xi1>
      %unique3A_59, %unique3A_60 = tpu.scan_count mask(%broadcast_in_dim3A_58 : vector<16xi1>) value(%and3A_56 : vector<16xi32>) : vector<16xi1>, vector<16xi32>
      %sub3A_61 = vector.broadcast %reduce_min3A_13 : i32 to vector<16xi32>
      %sub3A_62 = arith.subi %unique3A_60, %sub3A_61 : vector<16xi32>
      %add3A_63 = arith.constant 1 : i32
      %add3A_64 = vector.broadcast %add3A_63 : i32 to vector<16xi32>
      %add3A_65 = arith.addi %sub3A_62, %add3A_64 : vector<16xi32>
      tpu.vector_store_idx %arg11[%and3A_56], %add3A_65 masked %unique3A_59 {add = true} : memref<16xi32, #tpu.memory_space<vmem>>[vector<16xi32>], vector<16xi32>, vector<16xi1>
      %scan3A_66 = arith.constant 0 : i32
      scf.yield %scan3A_66 : i32
    }
    %scan3A_22 = arith.constant 625 : i32
    %get3A = arith.constant 0 : index
    %get3A_23 = tpu.vector_load %arg11[%get3A] {strides = array<i32>} : memref<16xi32, #tpu.memory_space<vmem>>, vector<16xi32>,
    %broadcast_in_dim3A_24 = arith.constant true
    %broadcast_in_dim3A_25 = vector.broadcast %broadcast_in_dim3A_24 : i1 to vector<16xi1>
    %masked_cumsum3A = tpu.scan <sum>, %get3A_23 masked %broadcast_in_dim3A_25 : vector<16xi32>, vector<16xi1> -> vector<16xi32>
    %sub3A = arith.subi %masked_cumsum3A, %get3A_23 : vector<16xi32>
    %swap3A_26 = arith.constant 0 : index
    %swap3A_27 = tpu.vector_load %arg12[%swap3A_26] {strides = array<i32>} : memref<16xi32, #tpu.memory_space<vmem>>, vector<16xi32>,
    tpu.vector_store %arg12[%swap3A_26], %sub3A {strides = array<i32>} : memref<16xi32, #tpu.memory_space<vmem>>, vector<16xi32>,
    %swap3A_28 = arith.constant 0 : index
    %swap3A_29 = tpu.vector_load %arg13[%swap3A_28] {strides = array<i32>} : memref<16xi32, #tpu.memory_space<vmem>>, vector<16xi32>,
    tpu.vector_store %arg13[%swap3A_28], %sub3A {strides = array<i32>} : memref<16xi32, #tpu.memory_space<vmem>>, vector<16xi32>,
    %iota3A = tpu.iota {dimensions = array<i32: 0>} : vector<16xi32>
    %add3A_30 = arith.constant 5008 : i32
    %add3A_31 = vector.broadcast %add3A_30 : i32 to vector<16xi32>
    %add3A_32 = arith.addi %add3A_31, %iota3A : vector<16xi32>
    %scan3A_33 = arith.constant 0 : i32
    %scan3A_34 = arith.constant 0 : i32
    %scan3A_35 = arith.constant 1024 : i32
    %scan3A_36 = arith.addi %scan3A_34, %scan3A_35 : i32
    %scan3A_37 = arith.constant 1 : i32
    %scan3A_38 = scf.for %scan3A_49 = %scan3A_34 to %scan3A_36 step %scan3A_37 iter_args(%scan3A_50 = %scan3A_33) -> (i32)  : i32 {
      %mul3A_51 = arith.constant 16 : i32
      %mul3A_52 = arith.muli %scan3A_49, %mul3A_51 : i32
      %swap3A_53 = arith.index_cast %mul3A_52 : i32 to index
      %swap3A_54 = tpu.vector_load %arg10[%swap3A_53] {strides = array<i32>} : memref<16384xi32, #tpu.memory_space<vmem>>, vector<16xi32>,
      tpu.vector_store %arg10[%swap3A_53], %add3A_32 {strides = array<i32>} : memref<16384xi32, #tpu.memory_space<vmem>>, vector<16xi32>,
      %scan3A_55 = arith.constant 0 : i32
      scf.yield %scan3A_55 : i32
    }
    %scan3A_39 = arith.constant 1024 : i32
    %scan3A_40 = arith.constant 0 : i32
    %scan3A_41 = arith.constant 0 : i32
    %scan3A_42 = arith.constant 625 : i32
    %scan3A_43 = arith.addi %scan3A_41, %scan3A_42 : i32
    %scan3A_44 = arith.constant 1 : i32
    %scan3A_45 = scf.for %scan3A_49 = %scan3A_41 to %scan3A_43 step %scan3A_44 iter_args(%scan3A_50 = %scan3A_40) -> (i32)  : i32 {
      %mul3A_51 = arith.constant 16 : i32
      %mul3A_52 = arith.muli %scan3A_49, %mul3A_51 : i32
      %get3A_53 = arith.index_cast %mul3A_52 : i32 to index
      %get3A_54 = tpu.vector_load %arg7[%get3A_53] {strides = array<i32>} : memref<10000xi32, #tpu.memory_space<vmem>>, vector<16xi32>,
      %get3A_55 = arith.index_cast %mul3A_52 : i32 to index
      %get3A_56 = tpu.vector_load %arg8[%get3A_55] {strides = array<i32>} : memref<10000xi32, #tpu.memory_space<vmem>>, vector<16xi32>,
      %and3A = arith.constant 15 : i32
      %and3A_57 = vector.broadcast %and3A : i32 to vector<16xi32>
      %and3A_58 = arith.andi %get3A_56, %and3A_57 : vector<16xi32>
      %broadcast_in_dim3A_59 = arith.constant true
      %broadcast_in_dim3A_60 = vector.broadcast %broadcast_in_dim3A_59 : i1 to vector<16xi1>
      %unique3A_61, %unique3A_62 = tpu.scan_count mask(%broadcast_in_dim3A_60 : vector<16xi1>) value(%and3A_58 : vector<16xi32>) : vector<16xi1>, vector<16xi32>
      %shift_left3A = arith.constant 13 : i32
      %shift_left3A_63 = vector.broadcast %shift_left3A : i32 to vector<16xi32>
      %shift_left3A_64 = arith.shli %get3A_54, %shift_left3A_63 : vector<16xi32>
      %or3A = arith.ori %shift_left3A_64, %get3A_56 : vector<16xi32>
      %gather3A = tpu.vector_load_idx %arg12[%and3A_58] : memref<16xi32, #tpu.memory_space<vmem>>[vector<16xi32>], vector<16xi32>,
      %sub3A_65 = vector.broadcast %reduce_min3A_13 : i32 to vector<16xi32>
      %sub3A_66 = arith.subi %unique3A_62, %sub3A_65 : vector<16xi32>
      %add3A_67 = arith.addi %gather3A, %sub3A_66 : vector<16xi32>
      tpu.vector_store_idx %arg9[%add3A_67], %or3A : memref<10000xi32, #tpu.memory_space<vmem>>[vector<16xi32>], vector<16xi32>,
      %gather3A_68 = tpu.vector_load_idx %arg13[%and3A_58] : memref<16xi32, #tpu.memory_space<vmem>>[vector<16xi32>], vector<16xi32>,
      %sub3A_69 = arith.subi %add3A_67, %gather3A_68 : vector<16xi32>
      %shift_left3A_70 = arith.constant 4 : i32
      %shift_left3A_71 = vector.broadcast %shift_left3A_70 : i32 to vector<16xi32>
      %shift_left3A_72 = arith.shli %sub3A_69, %shift_left3A_71 : vector<16xi32>
      %or3A_73 = arith.ori %shift_left3A_72, %and3A_58 : vector<16xi32>
      %lt3A = arith.constant 1024 : i32
      %lt3A_74 = vector.broadcast %lt3A : i32 to vector<16xi32>
      %lt3A_75 = arith.cmpi slt, %sub3A_69, %lt3A_74 : vector<16xi32>
      tpu.vector_store_idx %arg10[%or3A_73], %or3A masked %lt3A_75 : memref<16384xi32, #tpu.memory_space<vmem>>[vector<16xi32>], vector<16xi32>, vector<16xi1>
      %sub3A_76 = vector.broadcast %reduce_min3A_13 : i32 to vector<16xi32>
      %sub3A_77 = arith.subi %unique3A_62, %sub3A_76 : vector<16xi32>
      %add3A_78 = arith.constant 1 : i32
      %add3A_79 = vector.broadcast %add3A_78 : i32 to vector<16xi32>
      %add3A_80 = arith.addi %sub3A_77, %add3A_79 : vector<16xi32>
      tpu.vector_store_idx %arg12[%and3A_58], %add3A_80 masked %unique3A_61 {add = true} : memref<16xi32, #tpu.memory_space<vmem>>[vector<16xi32>], vector<16xi32>, vector<16xi1>
      %scan3A_81 = arith.constant 0 : i32
      scf.yield %scan3A_81 : i32
    }
    %scan3A_46 = arith.constant 625 : i32
    "tpu.region"() ({
      %run_scoped3A = tpu.sem_alloc : memref<!tpu.dma_semaphore, #tpu.memory_space<semaphore_mem>>
      %dma_start3A = tpu.memref_slice %arg4[%mul3A_2] : memref<320000xi32, #tpu.memory_space<hbm>> -> memref<10000xi32, #tpu.memory_space<hbm>>
      %dma_start3A_49 = tpu.memref_slice %arg4[%mul3A_2] : memref<320000xi32, #tpu.memory_space<hbm>> -> memref<10000xi32, #tpu.memory_space<hbm>>
      tpu.enqueue_dma source(%arg9 : memref<10000xi32, #tpu.memory_space<vmem>>) target(%dma_start3A_49 : memref<10000xi32, #tpu.memory_space<hbm>>) target_semaphore(%run_scoped3A : memref<!tpu.dma_semaphore, #tpu.memory_space<semaphore_mem>>)
      %dma_wait3A = tpu.memref_slice %arg4[%mul3A_2] : memref<320000xi32, #tpu.memory_space<hbm>> -> memref<10000xi32, #tpu.memory_space<hbm>>
      %dma_wait3A_50 = tpu.memref_slice %arg4[%mul3A_2] : memref<320000xi32, #tpu.memory_space<hbm>> -> memref<10000xi32, #tpu.memory_space<hbm>>
      tpu.wait_dma2 semaphore(%run_scoped3A : memref<!tpu.dma_semaphore, #tpu.memory_space<semaphore_mem>>) src(%arg9 : memref<10000xi32, #tpu.memory_space<vmem>>) dst(%dma_wait3A_50 : memref<10000xi32, #tpu.memory_space<hbm>>)
      tpu.yield
    }) : () -> ()
    %mul3A_47 = arith.constant 16384 : i32
    %mul3A_48 = arith.muli %add3A, %mul3A_47 : i32
    "tpu.region"() ({
      %run_scoped3A = tpu.sem_alloc : memref<!tpu.dma_semaphore, #tpu.memory_space<semaphore_mem>>
      %dma_start3A = tpu.memref_slice %arg5[%mul3A_48] : memref<524288xi32, #tpu.memory_space<hbm>> -> memref<16384xi32, #tpu.memory_space<hbm>>
      %dma_start3A_49 = tpu.memref_slice %arg5[%mul3A_48] : memref<524288xi32, #tpu.memory_space<hbm>> -> memref<16384xi32, #tpu.memory_space<hbm>>
      tpu.enqueue_dma source(%arg10 : memref<16384xi32, #tpu.memory_space<vmem>>) target(%dma_start3A_49 : memref<16384xi32, #tpu.memory_space<hbm>>) target_semaphore(%run_scoped3A : memref<!tpu.dma_semaphore, #tpu.memory_space<semaphore_mem>>)
      %dma_wait3A = tpu.memref_slice %arg5[%mul3A_48] : memref<524288xi32, #tpu.memory_space<hbm>> -> memref<16384xi32, #tpu.memory_space<hbm>>
      %dma_wait3A_50 = tpu.memref_slice %arg5[%mul3A_48] : memref<524288xi32, #tpu.memory_space<hbm>> -> memref<16384xi32, #tpu.memory_space<hbm>>
      tpu.wait_dma2 semaphore(%run_scoped3A : memref<!tpu.dma_semaphore, #tpu.memory_space<semaphore_mem>>) src(%arg10 : memref<16384xi32, #tpu.memory_space<vmem>>) dst(%dma_wait3A_50 : memref<16384xi32, #tpu.memory_space<hbm>>)
      tpu.yield
    }) : () -> ()
    "tpu.region"() ({
      %run_scoped3A = tpu.sem_alloc : memref<!tpu.dma_semaphore, #tpu.memory_space<semaphore_mem>>
      %dma_start3A = arith.constant 0 : i32
      %dma_start3A_49 = tpu.memref_slice %arg6[%add3A, %dma_start3A] : memref<32x16xi32, #tpu.memory_space<hbm>> -> memref<1x16xi32, #tpu.memory_space<hbm>>
      %dma_start3A_50 = tpu.memref_squeeze %dma_start3A_49 : memref<1x16xi32, #tpu.memory_space<hbm>> -> memref<16xi32, #tpu.memory_space<hbm>>
      %dma_start3A_51 = arith.constant 0 : i32
      %dma_start3A_52 = tpu.memref_slice %arg6[%add3A, %dma_start3A_51] : memref<32x16xi32, #tpu.memory_space<hbm>> -> memref<1x16xi32, #tpu.memory_space<hbm>>
      %dma_start3A_53 = tpu.memref_squeeze %dma_start3A_52 : memref<1x16xi32, #tpu.memory_space<hbm>> -> memref<16xi32, #tpu.memory_space<hbm>>
      tpu.enqueue_dma source(%arg11 : memref<16xi32, #tpu.memory_space<vmem>>) target(%dma_start3A_53 : memref<16xi32, #tpu.memory_space<hbm>>) target_semaphore(%run_scoped3A : memref<!tpu.dma_semaphore, #tpu.memory_space<semaphore_mem>>)
      %dma_wait3A = arith.constant 0 : i32
      %dma_wait3A_54 = tpu.memref_slice %arg6[%add3A, %dma_wait3A] : memref<32x16xi32, #tpu.memory_space<hbm>> -> memref<1x16xi32, #tpu.memory_space<hbm>>
      %dma_wait3A_55 = tpu.memref_squeeze %dma_wait3A_54 : memref<1x16xi32, #tpu.memory_space<hbm>> -> memref<16xi32, #tpu.memory_space<hbm>>
      %dma_wait3A_56 = arith.constant 0 : i32
      %dma_wait3A_57 = tpu.memref_slice %arg6[%add3A, %dma_wait3A_56] : memref<32x16xi32, #tpu.memory_space<hbm>> -> memref<1x16xi32, #tpu.memory_space<hbm>>
      %dma_wait3A_58 = tpu.memref_squeeze %dma_wait3A_57 : memref<1x16xi32, #tpu.memory_space<hbm>> -> memref<16xi32, #tpu.memory_space<hbm>>
      tpu.wait_dma2 semaphore(%run_scoped3A : memref<!tpu.dma_semaphore, #tpu.memory_space<semaphore_mem>>) src(%arg11 : memref<16xi32, #tpu.memory_space<vmem>>) dst(%dma_wait3A_58 : memref<16xi32, #tpu.memory_space<hbm>>)
      tpu.yield
    }) : () -> ()
    return
  }
}

#map = affine_map<(d0, d1) -> (0, 0)>
#map1 = affine_map<(d0, d1) -> (0)>
module attributes {stable_mosaic.version = 14 : i64} {
  func.func @_sc_body(%arg0: i32, %arg1: i32, %arg2: memref<64x10000xi32, #tpu.memory_space<hbm>>, %arg3: memref<320000xi32, #tpu.memory_space<hbm>>, %arg4: memref<524288xi32, #tpu.memory_space<hbm>>, %arg5: memref<512xi32, #tpu.memory_space<hbm>>, %arg6: memref<64x5024xi32, #tpu.memory_space<hbm>>, %arg7: memref<10000xi32, #tpu.memory_space<vmem>>, %arg8: memref<10000xi32, #tpu.memory_space<vmem>>, %arg9: memref<5024xi32, #tpu.memory_space<vmem>>, %arg10: memref<5024xi32, #tpu.memory_space<vmem>>, %arg11: memref<512xi32, #tpu.memory_space<vmem>>, %arg12: memref<10000xi32, #tpu.memory_space<vmem>>, %arg13: memref<10000xi32, #tpu.memory_space<vmem>>, %arg14: memref<16400xi32, #tpu.memory_space<vmem>>, %arg15: memref<16400xi32, #tpu.memory_space<vmem>>, %arg16: memref<!tpu.dma_semaphore, #tpu.memory_space<semaphore_mem>>, %arg17: memref<!tpu.dma_semaphore, #tpu.memory_space<semaphore_mem>>, %arg18: memref<!tpu.dma_semaphore, #tpu.memory_space<semaphore_mem>>, %arg19: memref<!tpu.dma_semaphore, #tpu.memory_space<semaphore_mem>>) attributes {dimension_semantics = [#tpu.dimension_semantics<core_parallel>, #tpu.dimension_semantics<subcore_parallel>], iteration_bounds = array<i64: 2, 16>, scalar_prefetch = 0 : i64, scratch_operands = 13 : i64, tpu.core_type = #tpu.core_type<sc_vector_subcore>, window_params = [{transform_indices = #map}, {transform_indices = #map1}, {transform_indices = #map1}, {transform_indices = #map1}, {transform_indices = #map}]} {
    %mul3A = arith.constant 2 : i32
    %mul3A_0 = arith.muli %arg1, %mul3A : i32
    %add3A = arith.addi %mul3A_0, %arg0 : i32
    %mul3A_1 = arith.constant 2 : i32
    %mul3A_2 = arith.muli %add3A, %mul3A_1 : i32
    "tpu.region"() ({
      %run_scoped3A = tpu.sem_alloc : memref<!tpu.dma_semaphore, #tpu.memory_space<semaphore_mem>>
      %dma_start3A_32 = arith.constant 0 : i32
      %dma_start3A_33 = tpu.memref_slice %arg2[%mul3A_2, %dma_start3A_32] : memref<64x10000xi32, #tpu.memory_space<hbm>> -> memref<1x10000xi32, #tpu.memory_space<hbm>>
      %dma_start3A_34 = tpu.memref_squeeze %dma_start3A_33 : memref<1x10000xi32, #tpu.memory_space<hbm>> -> memref<10000xi32, #tpu.memory_space<hbm>>
      %dma_start3A_35 = arith.constant 0 : i32
      %dma_start3A_36 = tpu.memref_slice %arg2[%mul3A_2, %dma_start3A_35] : memref<64x10000xi32, #tpu.memory_space<hbm>> -> memref<1x10000xi32, #tpu.memory_space<hbm>>
      %dma_start3A_37 = tpu.memref_squeeze %dma_start3A_36 : memref<1x10000xi32, #tpu.memory_space<hbm>> -> memref<10000xi32, #tpu.memory_space<hbm>>
      tpu.enqueue_dma source(%dma_start3A_37 : memref<10000xi32, #tpu.memory_space<hbm>>) target(%arg7 : memref<10000xi32, #tpu.memory_space<vmem>>) target_semaphore(%run_scoped3A : memref<!tpu.dma_semaphore, #tpu.memory_space<semaphore_mem>>)
      %dma_wait3A = arith.constant 0 : i32
      %dma_wait3A_38 = tpu.memref_slice %arg2[%mul3A_2, %dma_wait3A] : memref<64x10000xi32, #tpu.memory_space<hbm>> -> memref<1x10000xi32, #tpu.memory_space<hbm>>
      %dma_wait3A_39 = tpu.memref_squeeze %dma_wait3A_38 : memref<1x10000xi32, #tpu.memory_space<hbm>> -> memref<10000xi32, #tpu.memory_space<hbm>>
      %dma_wait3A_40 = arith.constant 0 : i32
      %dma_wait3A_41 = tpu.memref_slice %arg2[%mul3A_2, %dma_wait3A_40] : memref<64x10000xi32, #tpu.memory_space<hbm>> -> memref<1x10000xi32, #tpu.memory_space<hbm>>
      %dma_wait3A_42 = tpu.memref_squeeze %dma_wait3A_41 : memref<1x10000xi32, #tpu.memory_space<hbm>> -> memref<10000xi32, #tpu.memory_space<hbm>>
      tpu.wait_dma2 semaphore(%run_scoped3A : memref<!tpu.dma_semaphore, #tpu.memory_space<semaphore_mem>>) src(%dma_wait3A_42 : memref<10000xi32, #tpu.memory_space<hbm>>) dst(%arg7 : memref<10000xi32, #tpu.memory_space<vmem>>)
      tpu.yield
    }) : () -> ()
    %add3A_3 = arith.constant 1 : i32
    %add3A_4 = arith.addi %mul3A_2, %add3A_3 : i32
    "tpu.region"() ({
      %run_scoped3A = tpu.sem_alloc : memref<!tpu.dma_semaphore, #tpu.memory_space<semaphore_mem>>
      %dma_start3A_32 = arith.constant 0 : i32
      %dma_start3A_33 = tpu.memref_slice %arg2[%add3A_4, %dma_start3A_32] : memref<64x10000xi32, #tpu.memory_space<hbm>> -> memref<1x10000xi32, #tpu.memory_space<hbm>>
      %dma_start3A_34 = tpu.memref_squeeze %dma_start3A_33 : memref<1x10000xi32, #tpu.memory_space<hbm>> -> memref<10000xi32, #tpu.memory_space<hbm>>
      %dma_start3A_35 = arith.constant 0 : i32
      %dma_start3A_36 = tpu.memref_slice %arg2[%add3A_4, %dma_start3A_35] : memref<64x10000xi32, #tpu.memory_space<hbm>> -> memref<1x10000xi32, #tpu.memory_space<hbm>>
      %dma_start3A_37 = tpu.memref_squeeze %dma_start3A_36 : memref<1x10000xi32, #tpu.memory_space<hbm>> -> memref<10000xi32, #tpu.memory_space<hbm>>
      tpu.enqueue_dma source(%dma_start3A_37 : memref<10000xi32, #tpu.memory_space<hbm>>) target(%arg8 : memref<10000xi32, #tpu.memory_space<vmem>>) target_semaphore(%run_scoped3A : memref<!tpu.dma_semaphore, #tpu.memory_space<semaphore_mem>>)
      %dma_wait3A = arith.constant 0 : i32
      %dma_wait3A_38 = tpu.memref_slice %arg2[%add3A_4, %dma_wait3A] : memref<64x10000xi32, #tpu.memory_space<hbm>> -> memref<1x10000xi32, #tpu.memory_space<hbm>>
      %dma_wait3A_39 = tpu.memref_squeeze %dma_wait3A_38 : memref<1x10000xi32, #tpu.memory_space<hbm>> -> memref<10000xi32, #tpu.memory_space<hbm>>
      %dma_wait3A_40 = arith.constant 0 : i32
      %dma_wait3A_41 = tpu.memref_slice %arg2[%add3A_4, %dma_wait3A_40] : memref<64x10000xi32, #tpu.memory_space<hbm>> -> memref<1x10000xi32, #tpu.memory_space<hbm>>
      %dma_wait3A_42 = tpu.memref_squeeze %dma_wait3A_41 : memref<1x10000xi32, #tpu.memory_space<hbm>> -> memref<10000xi32, #tpu.memory_space<hbm>>
      tpu.wait_dma2 semaphore(%run_scoped3A : memref<!tpu.dma_semaphore, #tpu.memory_space<semaphore_mem>>) src(%dma_wait3A_42 : memref<10000xi32, #tpu.memory_space<hbm>>) dst(%arg8 : memref<10000xi32, #tpu.memory_space<vmem>>)
      tpu.yield
    }) : () -> ()
    "tpu.region"() ({
      %run_scoped3A = tpu.sem_alloc : memref<!tpu.dma_semaphore, #tpu.memory_space<semaphore_mem>>
      tpu.enqueue_dma source(%arg5 : memref<512xi32, #tpu.memory_space<hbm>>) target(%arg11 : memref<512xi32, #tpu.memory_space<vmem>>) target_semaphore(%run_scoped3A : memref<!tpu.dma_semaphore, #tpu.memory_space<semaphore_mem>>)
      tpu.wait_dma2 semaphore(%run_scoped3A : memref<!tpu.dma_semaphore, #tpu.memory_space<semaphore_mem>>) src(%arg5 : memref<512xi32, #tpu.memory_space<hbm>>) dst(%arg11 : memref<512xi32, #tpu.memory_space<vmem>>)
      tpu.yield
    }) : () -> ()
    %broadcast_in_dim3A = arith.constant -8323200 : i32
    %broadcast_in_dim3A_5 = vector.broadcast %broadcast_in_dim3A : i32 to vector<16xi32>
    %scan3A = arith.constant 0 : i32
    %scan3A_6 = arith.constant 0 : i32
    %scan3A_7 = arith.constant 314 : i32
    %scan3A_8 = arith.addi %scan3A_6, %scan3A_7 : i32
    %scan3A_9 = arith.constant 1 : i32
    %scan3A_10 = scf.for %scan3A_32 = %scan3A_6 to %scan3A_8 step %scan3A_9 iter_args(%scan3A_33 = %scan3A) -> (i32)  : i32 {
      %mul3A_34 = arith.constant 16 : i32
      %mul3A_35 = arith.muli %scan3A_32, %mul3A_34 : i32
      %swap3A = arith.index_cast %mul3A_35 : i32 to index
      %swap3A_36 = tpu.vector_load %arg9[%swap3A] {strides = array<i32>} : memref<5024xi32, #tpu.memory_space<vmem>>, vector<16xi32>,
      tpu.vector_store %arg9[%swap3A], %broadcast_in_dim3A_5 {strides = array<i32>} : memref<5024xi32, #tpu.memory_space<vmem>>, vector<16xi32>,
      %mul3A_37 = arith.constant 16 : i32
      %mul3A_38 = arith.muli %scan3A_32, %mul3A_37 : i32
      %swap3A_39 = arith.index_cast %mul3A_38 : i32 to index
      %swap3A_40 = tpu.vector_load %arg10[%swap3A_39] {strides = array<i32>} : memref<5024xi32, #tpu.memory_space<vmem>>, vector<16xi32>,
      tpu.vector_store %arg10[%swap3A_39], %broadcast_in_dim3A_5 {strides = array<i32>} : memref<5024xi32, #tpu.memory_space<vmem>>, vector<16xi32>,
      %scan3A_41 = arith.constant 0 : i32
      scf.yield %scan3A_41 : i32
    }
    %scan3A_11 = arith.constant 314 : i32
    %iota3A = tpu.iota {dimensions = array<i32: 0>} : vector<16xi32>
    %dma_start3A = arith.constant 0 : i32
    %dma_start3A_12 = tpu.memref_slice %arg3[%dma_start3A] : memref<320000xi32, #tpu.memory_space<hbm>> -> memref<10000xi32, #tpu.memory_space<hbm>>
    %dma_start3A_13 = arith.constant 0 : i32
    %dma_start3A_14 = tpu.memref_slice %arg3[%dma_start3A_13] : memref<320000xi32, #tpu.memory_space<hbm>> -> memref<10000xi32, #tpu.memory_space<hbm>>
    tpu.enqueue_dma source(%dma_start3A_14 : memref<10000xi32, #tpu.memory_space<hbm>>) target(%arg12 : memref<10000xi32, #tpu.memory_space<vmem>>) target_semaphore(%arg16 : memref<!tpu.dma_semaphore, #tpu.memory_space<semaphore_mem>>)
    %dma_start3A_15 = arith.constant 0 : i32
    %dma_start3A_16 = tpu.memref_slice %arg14[%dma_start3A_15] : memref<16400xi32, #tpu.memory_space<vmem>> -> memref<16384xi32, #tpu.memory_space<vmem>>
    %dma_start3A_17 = arith.constant 0 : i32
    %dma_start3A_18 = tpu.memref_slice %arg4[%dma_start3A_17] : memref<524288xi32, #tpu.memory_space<hbm>> -> memref<16384xi32, #tpu.memory_space<hbm>>
    %dma_start3A_19 = arith.constant 0 : i32
    %dma_start3A_20 = tpu.memref_slice %arg14[%dma_start3A_19] : memref<16400xi32, #tpu.memory_space<vmem>> -> memref<16384xi32, #tpu.memory_space<vmem>>
    %dma_start3A_21 = arith.constant 0 : i32
    %dma_start3A_22 = tpu.memref_slice %arg4[%dma_start3A_21] : memref<524288xi32, #tpu.memory_space<hbm>> -> memref<16384xi32, #tpu.memory_space<hbm>>
    tpu.enqueue_dma source(%dma_start3A_22 : memref<16384xi32, #tpu.memory_space<hbm>>) target(%dma_start3A_20 : memref<16384xi32, #tpu.memory_space<vmem>>) target_semaphore(%arg18 : memref<!tpu.dma_semaphore, #tpu.memory_space<semaphore_mem>>)
    %scan3A_23 = arith.constant 0 : i32
    %scan3A_24 = arith.constant 0 : i32
    %scan3A_25 = arith.constant 16 : i32
    %scan3A_26 = arith.addi %scan3A_24, %scan3A_25 : i32
    %scan3A_27 = arith.constant 1 : i32
    %scan3A_28 = scf.for %scan3A_32 = %scan3A_24 to %scan3A_26 step %scan3A_27 iter_args(%scan3A_33 = %scan3A_23) -> (i32)  : i32 {
      %mul3A_34 = arith.constant 2 : i32
      %mul3A_35 = arith.muli %mul3A_34, %scan3A_32 : i32
      %add3A_36 = arith.constant 0 : i32
      %add3A_37 = arith.addi %mul3A_35, %add3A_36 : i32
      %add3A_38 = arith.constant 1 : i32
      %add3A_39 = arith.addi %add3A_37, %add3A_38 : i32
      %lt3A = arith.constant 32 : i32
      %lt3A_40 = arith.cmpi slt, %add3A_39, %lt3A : i32
      %convert_element_type3A = arith.extui %lt3A_40 : i1 to i32
      %cond3A = arith.constant 0 : i32
      %cond3A_41 = arith.cmpi ne, %convert_element_type3A, %cond3A : i32
      scf.if %cond3A_41 {
        %add3A_119 = arith.constant 1 : i32
        %add3A_120 = arith.addi %add3A_37, %add3A_119 : i32
        %mul3A_121 = arith.constant 10000 : i32
        %mul3A_122 = arith.muli %add3A_120, %mul3A_121 : i32
        %dma_start3A_123 = tpu.memref_slice %arg3[%mul3A_122] : memref<320000xi32, #tpu.memory_space<hbm>> -> memref<10000xi32, #tpu.memory_space<hbm>>
        %dma_start3A_124 = tpu.memref_slice %arg3[%mul3A_122] : memref<320000xi32, #tpu.memory_space<hbm>> -> memref<10000xi32, #tpu.memory_space<hbm>>
        tpu.enqueue_dma source(%dma_start3A_124 : memref<10000xi32, #tpu.memory_space<hbm>>) target(%arg13 : memref<10000xi32, #tpu.memory_space<vmem>>) target_semaphore(%arg17 : memref<!tpu.dma_semaphore, #tpu.memory_space<semaphore_mem>>)
        %mul3A_125 = arith.constant 16384 : i32
        %mul3A_126 = arith.muli %add3A_120, %mul3A_125 : i32
        %dma_start3A_127 = arith.constant 0 : i32
        %dma_start3A_128 = tpu.memref_slice %arg15[%dma_start3A_127] : memref<16400xi32, #tpu.memory_space<vmem>> -> memref<16384xi32, #tpu.memory_space<vmem>>
        %dma_start3A_129 = tpu.memref_slice %arg4[%mul3A_126] : memref<524288xi32, #tpu.memory_space<hbm>> -> memref<16384xi32, #tpu.memory_space<hbm>>
        %dma_start3A_130 = arith.constant 0 : i32
        %dma_start3A_131 = tpu.memref_slice %arg15[%dma_start3A_130] : memref<16400xi32, #tpu.memory_space<vmem>> -> memref<16384xi32, #tpu.memory_space<vmem>>
        %dma_start3A_132 = tpu.memref_slice %arg4[%mul3A_126] : memref<524288xi32, #tpu.memory_space<hbm>> -> memref<16384xi32, #tpu.memory_space<hbm>>
        tpu.enqueue_dma source(%dma_start3A_132 : memref<16384xi32, #tpu.memory_space<hbm>>) target(%dma_start3A_131 : memref<16384xi32, #tpu.memory_space<vmem>>) target_semaphore(%arg19 : memref<!tpu.dma_semaphore, #tpu.memory_space<semaphore_mem>>)
      } else {
      }
      %mul3A_42 = arith.constant 10000 : i32
      %mul3A_43 = arith.muli %add3A_37, %mul3A_42 : i32
      %dma_wait3A = tpu.memref_slice %arg3[%mul3A_43] : memref<320000xi32, #tpu.memory_space<hbm>> -> memref<10000xi32, #tpu.memory_space<hbm>>
      %dma_wait3A_44 = tpu.memref_slice %arg3[%mul3A_43] : memref<320000xi32, #tpu.memory_space<hbm>> -> memref<10000xi32, #tpu.memory_space<hbm>>
      tpu.wait_dma2 semaphore(%arg16 : memref<!tpu.dma_semaphore, #tpu.memory_space<semaphore_mem>>) src(%dma_wait3A_44 : memref<10000xi32, #tpu.memory_space<hbm>>) dst(%arg12 : memref<10000xi32, #tpu.memory_space<vmem>>)
      %mul3A_45 = arith.constant 16384 : i32
      %mul3A_46 = arith.muli %add3A_37, %mul3A_45 : i32
      %dma_wait3A_47 = arith.constant 0 : i32
      %dma_wait3A_48 = tpu.memref_slice %arg14[%dma_wait3A_47] : memref<16400xi32, #tpu.memory_space<vmem>> -> memref<16384xi32, #tpu.memory_space<vmem>>
      %dma_wait3A_49 = tpu.memref_slice %arg4[%mul3A_46] : memref<524288xi32, #tpu.memory_space<hbm>> -> memref<16384xi32, #tpu.memory_space<hbm>>
      %dma_wait3A_50 = arith.constant 0 : i32
      %dma_wait3A_51 = tpu.memref_slice %arg14[%dma_wait3A_50] : memref<16400xi32, #tpu.memory_space<vmem>> -> memref<16384xi32, #tpu.memory_space<vmem>>
      %dma_wait3A_52 = tpu.memref_slice %arg4[%mul3A_46] : memref<524288xi32, #tpu.memory_space<hbm>> -> memref<16384xi32, #tpu.memory_space<hbm>>
      tpu.wait_dma2 semaphore(%arg18 : memref<!tpu.dma_semaphore, #tpu.memory_space<semaphore_mem>>) src(%dma_wait3A_52 : memref<16384xi32, #tpu.memory_space<hbm>>) dst(%dma_wait3A_51 : memref<16384xi32, #tpu.memory_space<vmem>>)
      %mul3A_53 = arith.constant 16 : i32
      %mul3A_54 = arith.muli %add3A_37, %mul3A_53 : i32
      %add3A_55 = vector.broadcast %mul3A_54 : i32 to vector<16xi32>
      %add3A_56 = arith.addi %add3A_55, %iota3A : vector<16xi32>
      %gather3A = tpu.vector_load_idx %arg11[%add3A_56] : memref<512xi32, #tpu.memory_space<vmem>>[vector<16xi32>], vector<16xi32>,
      %reduce_max3A = arith.constant true
      %reduce_max3A_57 = vector.broadcast %reduce_max3A : i1 to vector<16xi1>
      %reduce_max3A_58 = arith.constant -2147483648 : i32
      %reduce_max3A_59 = vector.broadcast %reduce_max3A_58 : i32 to vector<16xi32>
      %reduce_max3A_60 = arith.xori %gather3A, %reduce_max3A_59 : vector<16xi32>
      %reduce_max3A_61 = tpu.scan <max>, %reduce_max3A_60 masked %reduce_max3A_57 : vector<16xi32>, vector<16xi1> -> vector<16xi32>
      %reduce_max3A_62 = arith.xori %reduce_max3A_61, %reduce_max3A_59 : vector<16xi32>
      %reduce_max3A_63 = vector.extract %reduce_max3A_62[15] : i32 from vector<16xi32>
      %le3A = arith.constant 1024 : i32
      %le3A_64 = arith.cmpi sle, %reduce_max3A_63, %le3A : i32
      %convert_element_type3A_65 = arith.extui %le3A_64 : i1 to i32
      %cond3A_66 = arith.constant 0 : i32
      %cond3A_67 = arith.cmpi ne, %convert_element_type3A_65, %cond3A_66 : i32
      scf.if %cond3A_67 {
        %add3A_119 = arith.constant 1 : i32
        %add3A_120 = arith.addi %reduce_max3A_63, %add3A_119 : i32
        %jit3A = arith.constant 2 : i32
        %div3A = arith.divsi %add3A_120, %jit3A : i32
        %sign3A = arith.constant 0 : i32
        %sign3A_121 = arith.cmpi sgt, %add3A_120, %sign3A : i32
        %sign3A_122 = arith.extui %sign3A_121 : i1 to i32
        %sign3A_123 = arith.constant 0 : i32
        %sign3A_124 = arith.cmpi slt, %add3A_120, %sign3A_123 : i32
        %sign3A_125 = arith.extui %sign3A_124 : i1 to i32
        %sign3A_126 = arith.subi %sign3A_122, %sign3A_125 : i32
        %sign3A_127 = arith.constant 0 : i32
        %sign3A_128 = arith.cmpi sgt, %jit3A, %sign3A_127 : i32
        %sign3A_129 = arith.extui %sign3A_128 : i1 to i32
        %sign3A_130 = arith.constant 0 : i32
        %sign3A_131 = arith.cmpi slt, %jit3A, %sign3A_130 : i32
        %sign3A_132 = arith.extui %sign3A_131 : i1 to i32
        %sign3A_133 = arith.subi %sign3A_129, %sign3A_132 : i32
        %ne3A = arith.cmpi ne, %sign3A_126, %sign3A_133 : i32
        %rem3A = arith.remsi %add3A_120, %jit3A : i32
        %ne3A_134 = arith.constant 0 : i32
        %ne3A_135 = arith.cmpi ne, %rem3A, %ne3A_134 : i32
        %and3A = arith.andi %ne3A, %ne3A_135 : i1
        %sub3A = arith.constant 1 : i32
        %sub3A_136 = arith.subi %div3A, %sub3A : i32
        %select_n3A = arith.select %and3A, %sub3A_136, %div3A : i32
        %get3A = arith.constant 0 : index
        %get3A_137 = tpu.vector_load %arg14[%get3A] {strides = array<i32>} : memref<16400xi32, #tpu.memory_space<vmem>>, vector<16xi32>,
        %while3A = arith.constant 0 : i32
        %while3A_138 = arith.subi %select_n3A, %while3A : i32
        %while3A_139 = arith.addi %while3A, %while3A_138 : i32
        %while3A_140 = arith.constant 1 : i32
        %while3A_141 = arith.divsi %while3A_138, %while3A_140 : i32
        %while3A_142 = arith.muli %while3A_141, %while3A_140 : i32
        %while3A_143 = arith.addi %while3A, %while3A_142 : i32
        %while3A_144 = arith.constant 1 : i32
        %while3A_145 = scf.for %while3A_148 = %while3A to %while3A_143 step %while3A_144 iter_args(%while3A_149 = %get3A_137) -> (vector<16xi32>)  : i32 {
          %shift_right_arithmetic3A = arith.constant 13 : i32
          %shift_right_arithmetic3A_150 = vector.broadcast %shift_right_arithmetic3A : i32 to vector<16xi32>
          %shift_right_arithmetic3A_151 = arith.shrsi %while3A_149, %shift_right_arithmetic3A_150 : vector<16xi32>
          %and3A_152 = arith.constant 8191 : i32
          %and3A_153 = vector.broadcast %and3A_152 : i32 to vector<16xi32>
          %and3A_154 = arith.andi %while3A_149, %and3A_153 : vector<16xi32>
          %mul3A_155 = arith.constant 2 : i32
          %mul3A_156 = arith.muli %mul3A_155, %while3A_148 : i32
          %add3A_157 = arith.constant 1 : i32
          %add3A_158 = arith.addi %mul3A_156, %add3A_157 : i32
          %mul3A_159 = arith.constant 16 : i32
          %mul3A_160 = arith.muli %add3A_158, %mul3A_159 : i32
          %get3A_161 = arith.index_cast %mul3A_160 : i32 to index
          %get3A_162 = tpu.vector_load %arg14[%get3A_161] {strides = array<i32>} : memref<16400xi32, #tpu.memory_space<vmem>>, vector<16xi32>,
          %gather3A_163 = tpu.vector_load_idx %arg7[%shift_right_arithmetic3A_151] : memref<10000xi32, #tpu.memory_space<vmem>>[vector<16xi32>], vector<16xi32>,
          %gather3A_164 = tpu.vector_load_idx %arg8[%shift_right_arithmetic3A_151] : memref<10000xi32, #tpu.memory_space<vmem>>[vector<16xi32>], vector<16xi32>,
          %gather3A_165 = tpu.vector_load_idx %arg9[%and3A_154] : memref<5024xi32, #tpu.memory_space<vmem>>[vector<16xi32>], vector<16xi32>,
          %gather3A_166 = tpu.vector_load_idx %arg10[%and3A_154] : memref<5024xi32, #tpu.memory_space<vmem>>[vector<16xi32>], vector<16xi32>,
          %bitcast3A = vector.bitcast %gather3A_163 : vector<16xi32> to vector<32xbf16>
          %bitcast3A_167 = vector.bitcast %gather3A_165 : vector<16xi32> to vector<32xbf16>
          %max3A = arith.maximumf %bitcast3A, %bitcast3A_167 : vector<32xbf16>
          %bitcast3A_168 = vector.bitcast %max3A : vector<32xbf16> to vector<16xi32>
          %bitcast3A_169 = vector.bitcast %gather3A_164 : vector<16xi32> to vector<32xbf16>
          %bitcast3A_170 = vector.bitcast %gather3A_166 : vector<16xi32> to vector<32xbf16>
          %max3A_171 = arith.maximumf %bitcast3A_169, %bitcast3A_170 : vector<32xbf16>
          %bitcast3A_172 = vector.bitcast %max3A_171 : vector<32xbf16> to vector<16xi32>
          tpu.vector_store_idx %arg9[%and3A_154], %bitcast3A_168 : memref<5024xi32, #tpu.memory_space<vmem>>[vector<16xi32>], vector<16xi32>,
          tpu.vector_store_idx %arg10[%and3A_154], %bitcast3A_172 : memref<5024xi32, #tpu.memory_space<vmem>>[vector<16xi32>], vector<16xi32>,
          %shift_right_arithmetic3A_173 = arith.constant 13 : i32
          %shift_right_arithmetic3A_174 = vector.broadcast %shift_right_arithmetic3A_173 : i32 to vector<16xi32>
          %shift_right_arithmetic3A_175 = arith.shrsi %get3A_162, %shift_right_arithmetic3A_174 : vector<16xi32>
          %and3A_176 = arith.constant 8191 : i32
          %and3A_177 = vector.broadcast %and3A_176 : i32 to vector<16xi32>
          %and3A_178 = arith.andi %get3A_162, %and3A_177 : vector<16xi32>
          %mul3A_179 = arith.constant 2 : i32
          %mul3A_180 = arith.muli %mul3A_179, %while3A_148 : i32
          %add3A_181 = arith.constant 2 : i32
          %add3A_182 = arith.addi %mul3A_180, %add3A_181 : i32
          %mul3A_183 = arith.constant 16 : i32
          %mul3A_184 = arith.muli %add3A_182, %mul3A_183 : i32
          %get3A_185 = arith.index_cast %mul3A_184 : i32 to index
          %get3A_186 = tpu.vector_load %arg14[%get3A_185] {strides = array<i32>} : memref<16400xi32, #tpu.memory_space<vmem>>, vector<16xi32>,
          %gather3A_187 = tpu.vector_load_idx %arg7[%shift_right_arithmetic3A_175] : memref<10000xi32, #tpu.memory_space<vmem>>[vector<16xi32>], vector<16xi32>,
          %gather3A_188 = tpu.vector_load_idx %arg8[%shift_right_arithmetic3A_175] : memref<10000xi32, #tpu.memory_space<vmem>>[vector<16xi32>], vector<16xi32>,
          %gather3A_189 = tpu.vector_load_idx %arg9[%and3A_178] : memref<5024xi32, #tpu.memory_space<vmem>>[vector<16xi32>], vector<16xi32>,
          %gather3A_190 = tpu.vector_load_idx %arg10[%and3A_178] : memref<5024xi32, #tpu.memory_space<vmem>>[vector<16xi32>], vector<16xi32>,
          %bitcast3A_191 = vector.bitcast %gather3A_187 : vector<16xi32> to vector<32xbf16>
          %bitcast3A_192 = vector.bitcast %gather3A_189 : vector<16xi32> to vector<32xbf16>
          %max3A_193 = arith.maximumf %bitcast3A_191, %bitcast3A_192 : vector<32xbf16>
          %bitcast3A_194 = vector.bitcast %max3A_193 : vector<32xbf16> to vector<16xi32>
          %bitcast3A_195 = vector.bitcast %gather3A_188 : vector<16xi32> to vector<32xbf16>
          %bitcast3A_196 = vector.bitcast %gather3A_190 : vector<16xi32> to vector<32xbf16>
          %max3A_197 = arith.maximumf %bitcast3A_195, %bitcast3A_196 : vector<32xbf16>
          %bitcast3A_198 = vector.bitcast %max3A_197 : vector<32xbf16> to vector<16xi32>
          tpu.vector_store_idx %arg9[%and3A_178], %bitcast3A_194 : memref<5024xi32, #tpu.memory_space<vmem>>[vector<16xi32>], vector<16xi32>,
          tpu.vector_store_idx %arg10[%and3A_178], %bitcast3A_198 : memref<5024xi32, #tpu.memory_space<vmem>>[vector<16xi32>], vector<16xi32>,
          scf.yield %get3A_186 : vector<16xi32>
        }
        %while3A_146 = arith.constant 1 : i32
        %while3A_147 = scf.for %while3A_148 = %while3A_143 to %while3A_139 step %while3A_146 iter_args(%while3A_149 = %while3A_145) -> (vector<16xi32>)  : i32 {
          %shift_right_arithmetic3A = arith.constant 13 : i32
          %shift_right_arithmetic3A_150 = vector.broadcast %shift_right_arithmetic3A : i32 to vector<16xi32>
          %shift_right_arithmetic3A_151 = arith.shrsi %while3A_149, %shift_right_arithmetic3A_150 : vector<16xi32>
          %and3A_152 = arith.constant 8191 : i32
          %and3A_153 = vector.broadcast %and3A_152 : i32 to vector<16xi32>
          %and3A_154 = arith.andi %while3A_149, %and3A_153 : vector<16xi32>
          %mul3A_155 = arith.constant 2 : i32
          %mul3A_156 = arith.muli %mul3A_155, %while3A_148 : i32
          %add3A_157 = arith.constant 1 : i32
          %add3A_158 = arith.addi %mul3A_156, %add3A_157 : i32
          %mul3A_159 = arith.constant 16 : i32
          %mul3A_160 = arith.muli %add3A_158, %mul3A_159 : i32
          %get3A_161 = arith.index_cast %mul3A_160 : i32 to index
          %get3A_162 = tpu.vector_load %arg14[%get3A_161] {strides = array<i32>} : memref<16400xi32, #tpu.memory_space<vmem>>, vector<16xi32>,
          %gather3A_163 = tpu.vector_load_idx %arg7[%shift_right_arithmetic3A_151] : memref<10000xi32, #tpu.memory_space<vmem>>[vector<16xi32>], vector<16xi32>,
          %gather3A_164 = tpu.vector_load_idx %arg8[%shift_right_arithmetic3A_151] : memref<10000xi32, #tpu.memory_space<vmem>>[vector<16xi32>], vector<16xi32>,
          %gather3A_165 = tpu.vector_load_idx %arg9[%and3A_154] : memref<5024xi32, #tpu.memory_space<vmem>>[vector<16xi32>], vector<16xi32>,
          %gather3A_166 = tpu.vector_load_idx %arg10[%and3A_154] : memref<5024xi32, #tpu.memory_space<vmem>>[vector<16xi32>], vector<16xi32>,
          %bitcast3A = vector.bitcast %gather3A_163 : vector<16xi32> to vector<32xbf16>
          %bitcast3A_167 = vector.bitcast %gather3A_165 : vector<16xi32> to vector<32xbf16>
          %max3A = arith.maximumf %bitcast3A, %bitcast3A_167 : vector<32xbf16>
          %bitcast3A_168 = vector.bitcast %max3A : vector<32xbf16> to vector<16xi32>
          %bitcast3A_169 = vector.bitcast %gather3A_164 : vector<16xi32> to vector<32xbf16>
          %bitcast3A_170 = vector.bitcast %gather3A_166 : vector<16xi32> to vector<32xbf16>
          %max3A_171 = arith.maximumf %bitcast3A_169, %bitcast3A_170 : vector<32xbf16>
          %bitcast3A_172 = vector.bitcast %max3A_171 : vector<32xbf16> to vector<16xi32>
          tpu.vector_store_idx %arg9[%and3A_154], %bitcast3A_168 : memref<5024xi32, #tpu.memory_space<vmem>>[vector<16xi32>], vector<16xi32>,
          tpu.vector_store_idx %arg10[%and3A_154], %bitcast3A_172 : memref<5024xi32, #tpu.memory_space<vmem>>[vector<16xi32>], vector<16xi32>,
          %shift_right_arithmetic3A_173 = arith.constant 13 : i32
          %shift_right_arithmetic3A_174 = vector.broadcast %shift_right_arithmetic3A_173 : i32 to vector<16xi32>
          %shift_right_arithmetic3A_175 = arith.shrsi %get3A_162, %shift_right_arithmetic3A_174 : vector<16xi32>
          %and3A_176 = arith.constant 8191 : i32
          %and3A_177 = vector.broadcast %and3A_176 : i32 to vector<16xi32>
          %and3A_178 = arith.andi %get3A_162, %and3A_177 : vector<16xi32>
          %mul3A_179 = arith.constant 2 : i32
          %mul3A_180 = arith.muli %mul3A_179, %while3A_148 : i32
          %add3A_181 = arith.constant 2 : i32
          %add3A_182 = arith.addi %mul3A_180, %add3A_181 : i32
          %mul3A_183 = arith.constant 16 : i32
          %mul3A_184 = arith.muli %add3A_182, %mul3A_183 : i32
          %get3A_185 = arith.index_cast %mul3A_184 : i32 to index
          %get3A_186 = tpu.vector_load %arg14[%get3A_185] {strides = array<i32>} : memref<16400xi32, #tpu.memory_space<vmem>>, vector<16xi32>,
          %gather3A_187 = tpu.vector_load_idx %arg7[%shift_right_arithmetic3A_175] : memref<10000xi32, #tpu.memory_space<vmem>>[vector<16xi32>], vector<16xi32>,
          %gather3A_188 = tpu.vector_load_idx %arg8[%shift_right_arithmetic3A_175] : memref<10000xi32, #tpu.memory_space<vmem>>[vector<16xi32>], vector<16xi32>,
          %gather3A_189 = tpu.vector_load_idx %arg9[%and3A_178] : memref<5024xi32, #tpu.memory_space<vmem>>[vector<16xi32>], vector<16xi32>,
          %gather3A_190 = tpu.vector_load_idx %arg10[%and3A_178] : memref<5024xi32, #tpu.memory_space<vmem>>[vector<16xi32>], vector<16xi32>,
          %bitcast3A_191 = vector.bitcast %gather3A_187 : vector<16xi32> to vector<32xbf16>
          %bitcast3A_192 = vector.bitcast %gather3A_189 : vector<16xi32> to vector<32xbf16>
          %max3A_193 = arith.maximumf %bitcast3A_191, %bitcast3A_192 : vector<32xbf16>
          %bitcast3A_194 = vector.bitcast %max3A_193 : vector<32xbf16> to vector<16xi32>
          %bitcast3A_195 = vector.bitcast %gather3A_188 : vector<16xi32> to vector<32xbf16>
          %bitcast3A_196 = vector.bitcast %gather3A_190 : vector<16xi32> to vector<32xbf16>
          %max3A_197 = arith.maximumf %bitcast3A_195, %bitcast3A_196 : vector<32xbf16>
          %bitcast3A_198 = vector.bitcast %max3A_197 : vector<32xbf16> to vector<16xi32>
          tpu.vector_store_idx %arg9[%and3A_178], %bitcast3A_194 : memref<5024xi32, #tpu.memory_space<vmem>>[vector<16xi32>], vector<16xi32>,
          tpu.vector_store_idx %arg10[%and3A_178], %bitcast3A_198 : memref<5024xi32, #tpu.memory_space<vmem>>[vector<16xi32>], vector<16xi32>,
          scf.yield %get3A_186 : vector<16xi32>
        }
      } else {
      }
      %gt3A = arith.constant 1024 : i32
      %gt3A_68 = arith.cmpi sgt, %reduce_max3A_63, %gt3A : i32
      %convert_element_type3A_69 = arith.extui %gt3A_68 : i1 to i32
      %cond3A_70 = arith.constant 0 : i32
      %cond3A_71 = arith.cmpi ne, %convert_element_type3A_69, %cond3A_70 : i32
      scf.if %cond3A_71 {
        %broadcast_in_dim3A_119 = arith.constant true
        %broadcast_in_dim3A_120 = vector.broadcast %broadcast_in_dim3A_119 : i1 to vector<16xi1>
        %masked_cumsum3A = tpu.scan <sum>, %gather3A masked %broadcast_in_dim3A_120 : vector<16xi32>, vector<16xi1> -> vector<16xi32>
        %sub3A = arith.subi %masked_cumsum3A, %gather3A : vector<16xi32>
        %broadcast_in_dim3A_121 = arith.constant 0 : i32
        %broadcast_in_dim3A_122 = vector.broadcast %broadcast_in_dim3A_121 : i32 to vector<16xi32>
        %add3A_123 = arith.constant 0 : i32
        %add3A_124 = vector.broadcast %add3A_123 : i32 to vector<16xi32>
        %add3A_125 = arith.addi %broadcast_in_dim3A_122, %add3A_124 : vector<16xi32>
        %lt3A_126 = arith.cmpi slt, %add3A_125, %gather3A : vector<16xi32>
        %add3A_127 = arith.addi %sub3A, %add3A_125 : vector<16xi32>
        %gather3A_128 = tpu.vector_load_idx %arg12[%add3A_127] masked %lt3A_126 : memref<10000xi32, #tpu.memory_space<vmem>>[vector<16xi32>], vector<16xi32>, vector<16xi1>
        %while3A = arith.constant 0 : i32
        %while3A_129 = arith.subi %reduce_max3A_63, %while3A : i32
        %while3A_130 = arith.addi %while3A, %while3A_129 : i32
        %while3A_131 = arith.constant 1 : i32
        %while3A_132 = arith.divsi %while3A_129, %while3A_131 : i32
        %while3A_133 = arith.muli %while3A_132, %while3A_131 : i32
        %while3A_134 = arith.addi %while3A, %while3A_133 : i32
        %while3A_135 = arith.constant 1 : i32
        %while3A_136:2 = scf.for %while3A_139 = %while3A to %while3A_134 step %while3A_135 iter_args(%while3A_140 = %gather3A_128, %while3A_141 = %lt3A_126) -> (vector<16xi32>, vector<16xi1>)  : i32 {
          %shift_right_arithmetic3A = arith.constant 13 : i32
          %shift_right_arithmetic3A_142 = vector.broadcast %shift_right_arithmetic3A : i32 to vector<16xi32>
          %shift_right_arithmetic3A_143 = arith.shrsi %while3A_140, %shift_right_arithmetic3A_142 : vector<16xi32>
          %and3A = arith.constant 8191 : i32
          %and3A_144 = vector.broadcast %and3A : i32 to vector<16xi32>
          %and3A_145 = arith.andi %while3A_140, %and3A_144 : vector<16xi32>
          %add3A_146 = arith.constant 1 : i32
          %add3A_147 = arith.addi %while3A_139, %add3A_146 : i32
          %broadcast_in_dim3A_148 = arith.constant 0 : i32
          %broadcast_in_dim3A_149 = vector.broadcast %broadcast_in_dim3A_148 : i32 to vector<16xi32>
          %add3A_150 = vector.broadcast %add3A_147 : i32 to vector<16xi32>
          %add3A_151 = arith.addi %broadcast_in_dim3A_149, %add3A_150 : vector<16xi32>
          %lt3A_152 = arith.cmpi slt, %add3A_151, %gather3A : vector<16xi32>
          %add3A_153 = arith.addi %sub3A, %add3A_151 : vector<16xi32>
          %gather3A_154 = tpu.vector_load_idx %arg12[%add3A_153] masked %lt3A_152 : memref<10000xi32, #tpu.memory_space<vmem>>[vector<16xi32>], vector<16xi32>, vector<16xi1>
          %gather3A_155 = tpu.vector_load_idx %arg7[%shift_right_arithmetic3A_143] masked %while3A_141 : memref<10000xi32, #tpu.memory_space<vmem>>[vector<16xi32>], vector<16xi32>, vector<16xi1>
          %gather3A_156 = tpu.vector_load_idx %arg8[%shift_right_arithmetic3A_143] masked %while3A_141 : memref<10000xi32, #tpu.memory_space<vmem>>[vector<16xi32>], vector<16xi32>, vector<16xi1>
          %gather3A_157 = tpu.vector_load_idx %arg9[%and3A_145] masked %while3A_141 : memref<5024xi32, #tpu.memory_space<vmem>>[vector<16xi32>], vector<16xi32>, vector<16xi1>
          %gather3A_158 = tpu.vector_load_idx %arg10[%and3A_145] masked %while3A_141 : memref<5024xi32, #tpu.memory_space<vmem>>[vector<16xi32>], vector<16xi32>, vector<16xi1>
          %bitcast3A = vector.bitcast %gather3A_155 : vector<16xi32> to vector<32xbf16>
          %bitcast3A_159 = vector.bitcast %gather3A_157 : vector<16xi32> to vector<32xbf16>
          %max3A = arith.maximumf %bitcast3A, %bitcast3A_159 : vector<32xbf16>
          %bitcast3A_160 = vector.bitcast %max3A : vector<32xbf16> to vector<16xi32>
          %bitcast3A_161 = vector.bitcast %gather3A_156 : vector<16xi32> to vector<32xbf16>
          %bitcast3A_162 = vector.bitcast %gather3A_158 : vector<16xi32> to vector<32xbf16>
          %max3A_163 = arith.maximumf %bitcast3A_161, %bitcast3A_162 : vector<32xbf16>
          %bitcast3A_164 = vector.bitcast %max3A_163 : vector<32xbf16> to vector<16xi32>
          tpu.vector_store_idx %arg9[%and3A_145], %bitcast3A_160 masked %while3A_141 : memref<5024xi32, #tpu.memory_space<vmem>>[vector<16xi32>], vector<16xi32>, vector<16xi1>
          tpu.vector_store_idx %arg10[%and3A_145], %bitcast3A_164 masked %while3A_141 : memref<5024xi32, #tpu.memory_space<vmem>>[vector<16xi32>], vector<16xi32>, vector<16xi1>
          scf.yield %gather3A_154, %lt3A_152 : vector<16xi32>, vector<16xi1>
        }
        %while3A_137 = arith.constant 1 : i32
        %while3A_138:2 = scf.for %while3A_139 = %while3A_134 to %while3A_130 step %while3A_137 iter_args(%while3A_140 = %while3A_136#0, %while3A_141 = %while3A_136#1) -> (vector<16xi32>, vector<16xi1>)  : i32 {
          %shift_right_arithmetic3A = arith.constant 13 : i32
          %shift_right_arithmetic3A_142 = vector.broadcast %shift_right_arithmetic3A : i32 to vector<16xi32>
          %shift_right_arithmetic3A_143 = arith.shrsi %while3A_140, %shift_right_arithmetic3A_142 : vector<16xi32>
          %and3A = arith.constant 8191 : i32
          %and3A_144 = vector.broadcast %and3A : i32 to vector<16xi32>
          %and3A_145 = arith.andi %while3A_140, %and3A_144 : vector<16xi32>
          %add3A_146 = arith.constant 1 : i32
          %add3A_147 = arith.addi %while3A_139, %add3A_146 : i32
          %broadcast_in_dim3A_148 = arith.constant 0 : i32
          %broadcast_in_dim3A_149 = vector.broadcast %broadcast_in_dim3A_148 : i32 to vector<16xi32>
          %add3A_150 = vector.broadcast %add3A_147 : i32 to vector<16xi32>
          %add3A_151 = arith.addi %broadcast_in_dim3A_149, %add3A_150 : vector<16xi32>
          %lt3A_152 = arith.cmpi slt, %add3A_151, %gather3A : vector<16xi32>
          %add3A_153 = arith.addi %sub3A, %add3A_151 : vector<16xi32>
          %gather3A_154 = tpu.vector_load_idx %arg12[%add3A_153] masked %lt3A_152 : memref<10000xi32, #tpu.memory_space<vmem>>[vector<16xi32>], vector<16xi32>, vector<16xi1>
          %gather3A_155 = tpu.vector_load_idx %arg7[%shift_right_arithmetic3A_143] masked %while3A_141 : memref<10000xi32, #tpu.memory_space<vmem>>[vector<16xi32>], vector<16xi32>, vector<16xi1>
          %gather3A_156 = tpu.vector_load_idx %arg8[%shift_right_arithmetic3A_143] masked %while3A_141 : memref<10000xi32, #tpu.memory_space<vmem>>[vector<16xi32>], vector<16xi32>, vector<16xi1>
          %gather3A_157 = tpu.vector_load_idx %arg9[%and3A_145] masked %while3A_141 : memref<5024xi32, #tpu.memory_space<vmem>>[vector<16xi32>], vector<16xi32>, vector<16xi1>
          %gather3A_158 = tpu.vector_load_idx %arg10[%and3A_145] masked %while3A_141 : memref<5024xi32, #tpu.memory_space<vmem>>[vector<16xi32>], vector<16xi32>, vector<16xi1>
          %bitcast3A = vector.bitcast %gather3A_155 : vector<16xi32> to vector<32xbf16>
          %bitcast3A_159 = vector.bitcast %gather3A_157 : vector<16xi32> to vector<32xbf16>
          %max3A = arith.maximumf %bitcast3A, %bitcast3A_159 : vector<32xbf16>
          %bitcast3A_160 = vector.bitcast %max3A : vector<32xbf16> to vector<16xi32>
          %bitcast3A_161 = vector.bitcast %gather3A_156 : vector<16xi32> to vector<32xbf16>
          %bitcast3A_162 = vector.bitcast %gather3A_158 : vector<16xi32> to vector<32xbf16>
          %max3A_163 = arith.maximumf %bitcast3A_161, %bitcast3A_162 : vector<32xbf16>
          %bitcast3A_164 = vector.bitcast %max3A_163 : vector<32xbf16> to vector<16xi32>
          tpu.vector_store_idx %arg9[%and3A_145], %bitcast3A_160 masked %while3A_141 : memref<5024xi32, #tpu.memory_space<vmem>>[vector<16xi32>], vector<16xi32>, vector<16xi1>
          tpu.vector_store_idx %arg10[%and3A_145], %bitcast3A_164 masked %while3A_141 : memref<5024xi32, #tpu.memory_space<vmem>>[vector<16xi32>], vector<16xi32>, vector<16xi1>
          scf.yield %gather3A_154, %lt3A_152 : vector<16xi32>, vector<16xi1>
        }
      } else {
      }
      %mul3A_72 = arith.constant 2 : i32
      %mul3A_73 = arith.muli %mul3A_72, %scan3A_32 : i32
      %add3A_74 = arith.constant 1 : i32
      %add3A_75 = arith.addi %mul3A_73, %add3A_74 : i32
      %add3A_76 = arith.constant 1 : i32
      %add3A_77 = arith.addi %add3A_75, %add3A_76 : i32
      %lt3A_78 = arith.constant 32 : i32
      %lt3A_79 = arith.cmpi slt, %add3A_77, %lt3A_78 : i32
      %convert_element_type3A_80 = arith.extui %lt3A_79 : i1 to i32
      %cond3A_81 = arith.constant 0 : i32
      %cond3A_82 = arith.cmpi ne, %convert_element_type3A_80, %cond3A_81 : i32
      scf.if %cond3A_82 {
        %add3A_119 = arith.constant 1 : i32
        %add3A_120 = arith.addi %add3A_75, %add3A_119 : i32
        %mul3A_121 = arith.constant 10000 : i32
        %mul3A_122 = arith.muli %add3A_120, %mul3A_121 : i32
        %dma_start3A_123 = tpu.memref_slice %arg3[%mul3A_122] : memref<320000xi32, #tpu.memory_space<hbm>> -> memref<10000xi32, #tpu.memory_space<hbm>>
        %dma_start3A_124 = tpu.memref_slice %arg3[%mul3A_122] : memref<320000xi32, #tpu.memory_space<hbm>> -> memref<10000xi32, #tpu.memory_space<hbm>>
        tpu.enqueue_dma source(%dma_start3A_124 : memref<10000xi32, #tpu.memory_space<hbm>>) target(%arg12 : memref<10000xi32, #tpu.memory_space<vmem>>) target_semaphore(%arg16 : memref<!tpu.dma_semaphore, #tpu.memory_space<semaphore_mem>>)
        %mul3A_125 = arith.constant 16384 : i32
        %mul3A_126 = arith.muli %add3A_120, %mul3A_125 : i32
        %dma_start3A_127 = arith.constant 0 : i32
        %dma_start3A_128 = tpu.memref_slice %arg14[%dma_start3A_127] : memref<16400xi32, #tpu.memory_space<vmem>> -> memref<16384xi32, #tpu.memory_space<vmem>>
        %dma_start3A_129 = tpu.memref_slice %arg4[%mul3A_126] : memref<524288xi32, #tpu.memory_space<hbm>> -> memref<16384xi32, #tpu.memory_space<hbm>>
        %dma_start3A_130 = arith.constant 0 : i32
        %dma_start3A_131 = tpu.memref_slice %arg14[%dma_start3A_130] : memref<16400xi32, #tpu.memory_space<vmem>> -> memref<16384xi32, #tpu.memory_space<vmem>>
        %dma_start3A_132 = tpu.memref_slice %arg4[%mul3A_126] : memref<524288xi32, #tpu.memory_space<hbm>> -> memref<16384xi32, #tpu.memory_space<hbm>>
        tpu.enqueue_dma source(%dma_start3A_132 : memref<16384xi32, #tpu.memory_space<hbm>>) target(%dma_start3A_131 : memref<16384xi32, #tpu.memory_space<vmem>>) target_semaphore(%arg18 : memref<!tpu.dma_semaphore, #tpu.memory_space<semaphore_mem>>)
      } else {
      }
      %mul3A_83 = arith.constant 10000 : i32
      %mul3A_84 = arith.muli %add3A_75, %mul3A_83 : i32
      %dma_wait3A_85 = tpu.memref_slice %arg3[%mul3A_84] : memref<320000xi32, #tpu.memory_space<hbm>> -> memref<10000xi32, #tpu.memory_space<hbm>>
      %dma_wait3A_86 = tpu.memref_slice %arg3[%mul3A_84] : memref<320000xi32, #tpu.memory_space<hbm>> -> memref<10000xi32, #tpu.memory_space<hbm>>
      tpu.wait_dma2 semaphore(%arg17 : memref<!tpu.dma_semaphore, #tpu.memory_space<semaphore_mem>>) src(%dma_wait3A_86 : memref<10000xi32, #tpu.memory_space<hbm>>) dst(%arg13 : memref<10000xi32, #tpu.memory_space<vmem>>)
      %mul3A_87 = arith.constant 16384 : i32
      %mul3A_88 = arith.muli %add3A_75, %mul3A_87 : i32
      %dma_wait3A_89 = arith.constant 0 : i32
      %dma_wait3A_90 = tpu.memref_slice %arg15[%dma_wait3A_89] : memref<16400xi32, #tpu.memory_space<vmem>> -> memref<16384xi32, #tpu.memory_space<vmem>>
      %dma_wait3A_91 = tpu.memref_slice %arg4[%mul3A_88] : memref<524288xi32, #tpu.memory_space<hbm>> -> memref<16384xi32, #tpu.memory_space<hbm>>
      %dma_wait3A_92 = arith.constant 0 : i32
      %dma_wait3A_93 = tpu.memref_slice %arg15[%dma_wait3A_92] : memref<16400xi32, #tpu.memory_space<vmem>> -> memref<16384xi32, #tpu.memory_space<vmem>>
      %dma_wait3A_94 = tpu.memref_slice %arg4[%mul3A_88] : memref<524288xi32, #tpu.memory_space<hbm>> -> memref<16384xi32, #tpu.memory_space<hbm>>
      tpu.wait_dma2 semaphore(%arg19 : memref<!tpu.dma_semaphore, #tpu.memory_space<semaphore_mem>>) src(%dma_wait3A_94 : memref<16384xi32, #tpu.memory_space<hbm>>) dst(%dma_wait3A_93 : memref<16384xi32, #tpu.memory_space<vmem>>)
      %mul3A_95 = arith.constant 16 : i32
      %mul3A_96 = arith.muli %add3A_75, %mul3A_95 : i32
      %add3A_97 = vector.broadcast %mul3A_96 : i32 to vector<16xi32>
      %add3A_98 = arith.addi %add3A_97, %iota3A : vector<16xi32>
      %gather3A_99 = tpu.vector_load_idx %arg11[%add3A_98] : memref<512xi32, #tpu.memory_space<vmem>>[vector<16xi32>], vector<16xi32>,
      %reduce_max3A_100 = arith.constant true
      %reduce_max3A_101 = vector.broadcast %reduce_max3A_100 : i1 to vector<16xi1>
      %reduce_max3A_102 = arith.constant -2147483648 : i32
      %reduce_max3A_103 = vector.broadcast %reduce_max3A_102 : i32 to vector<16xi32>
      %reduce_max3A_104 = arith.xori %gather3A_99, %reduce_max3A_103 : vector<16xi32>
      %reduce_max3A_105 = tpu.scan <max>, %reduce_max3A_104 masked %reduce_max3A_101 : vector<16xi32>, vector<16xi1> -> vector<16xi32>
      %reduce_max3A_106 = arith.xori %reduce_max3A_105, %reduce_max3A_103 : vector<16xi32>
      %reduce_max3A_107 = vector.extract %reduce_max3A_106[15] : i32 from vector<16xi32>
      %le3A_108 = arith.constant 1024 : i32
      %le3A_109 = arith.cmpi sle, %reduce_max3A_107, %le3A_108 : i32
      %convert_element_type3A_110 = arith.extui %le3A_109 : i1 to i32
      %cond3A_111 = arith.constant 0 : i32
      %cond3A_112 = arith.cmpi ne, %convert_element_type3A_110, %cond3A_111 : i32
      scf.if %cond3A_112 {
        %add3A_119 = arith.constant 1 : i32
        %add3A_120 = arith.addi %reduce_max3A_107, %add3A_119 : i32
        %jit3A = arith.constant 2 : i32
        %div3A = arith.divsi %add3A_120, %jit3A : i32
        %sign3A = arith.constant 0 : i32
        %sign3A_121 = arith.cmpi sgt, %add3A_120, %sign3A : i32
        %sign3A_122 = arith.extui %sign3A_121 : i1 to i32
        %sign3A_123 = arith.constant 0 : i32
        %sign3A_124 = arith.cmpi slt, %add3A_120, %sign3A_123 : i32
        %sign3A_125 = arith.extui %sign3A_124 : i1 to i32
        %sign3A_126 = arith.subi %sign3A_122, %sign3A_125 : i32
        %sign3A_127 = arith.constant 0 : i32
        %sign3A_128 = arith.cmpi sgt, %jit3A, %sign3A_127 : i32
        %sign3A_129 = arith.extui %sign3A_128 : i1 to i32
        %sign3A_130 = arith.constant 0 : i32
        %sign3A_131 = arith.cmpi slt, %jit3A, %sign3A_130 : i32
        %sign3A_132 = arith.extui %sign3A_131 : i1 to i32
        %sign3A_133 = arith.subi %sign3A_129, %sign3A_132 : i32
        %ne3A = arith.cmpi ne, %sign3A_126, %sign3A_133 : i32
        %rem3A = arith.remsi %add3A_120, %jit3A : i32
        %ne3A_134 = arith.constant 0 : i32
        %ne3A_135 = arith.cmpi ne, %rem3A, %ne3A_134 : i32
        %and3A = arith.andi %ne3A, %ne3A_135 : i1
        %sub3A = arith.constant 1 : i32
        %sub3A_136 = arith.subi %div3A, %sub3A : i32
        %select_n3A = arith.select %and3A, %sub3A_136, %div3A : i32
        %get3A = arith.constant 0 : index
        %get3A_137 = tpu.vector_load %arg15[%get3A] {strides = array<i32>} : memref<16400xi32, #tpu.memory_space<vmem>>, vector<16xi32>,
        %while3A = arith.constant 0 : i32
        %while3A_138 = arith.subi %select_n3A, %while3A : i32
        %while3A_139 = arith.addi %while3A, %while3A_138 : i32
        %while3A_140 = arith.constant 1 : i32
        %while3A_141 = arith.divsi %while3A_138, %while3A_140 : i32
        %while3A_142 = arith.muli %while3A_141, %while3A_140 : i32
        %while3A_143 = arith.addi %while3A, %while3A_142 : i32
        %while3A_144 = arith.constant 1 : i32
        %while3A_145 = scf.for %while3A_148 = %while3A to %while3A_143 step %while3A_144 iter_args(%while3A_149 = %get3A_137) -> (vector<16xi32>)  : i32 {
          %shift_right_arithmetic3A = arith.constant 13 : i32
          %shift_right_arithmetic3A_150 = vector.broadcast %shift_right_arithmetic3A : i32 to vector<16xi32>
          %shift_right_arithmetic3A_151 = arith.shrsi %while3A_149, %shift_right_arithmetic3A_150 : vector<16xi32>
          %and3A_152 = arith.constant 8191 : i32
          %and3A_153 = vector.broadcast %and3A_152 : i32 to vector<16xi32>
          %and3A_154 = arith.andi %while3A_149, %and3A_153 : vector<16xi32>
          %mul3A_155 = arith.constant 2 : i32
          %mul3A_156 = arith.muli %mul3A_155, %while3A_148 : i32
          %add3A_157 = arith.constant 1 : i32
          %add3A_158 = arith.addi %mul3A_156, %add3A_157 : i32
          %mul3A_159 = arith.constant 16 : i32
          %mul3A_160 = arith.muli %add3A_158, %mul3A_159 : i32
          %get3A_161 = arith.index_cast %mul3A_160 : i32 to index
          %get3A_162 = tpu.vector_load %arg15[%get3A_161] {strides = array<i32>} : memref<16400xi32, #tpu.memory_space<vmem>>, vector<16xi32>,
          %gather3A_163 = tpu.vector_load_idx %arg7[%shift_right_arithmetic3A_151] : memref<10000xi32, #tpu.memory_space<vmem>>[vector<16xi32>], vector<16xi32>,
          %gather3A_164 = tpu.vector_load_idx %arg8[%shift_right_arithmetic3A_151] : memref<10000xi32, #tpu.memory_space<vmem>>[vector<16xi32>], vector<16xi32>,
          %gather3A_165 = tpu.vector_load_idx %arg9[%and3A_154] : memref<5024xi32, #tpu.memory_space<vmem>>[vector<16xi32>], vector<16xi32>,
          %gather3A_166 = tpu.vector_load_idx %arg10[%and3A_154] : memref<5024xi32, #tpu.memory_space<vmem>>[vector<16xi32>], vector<16xi32>,
          %bitcast3A = vector.bitcast %gather3A_163 : vector<16xi32> to vector<32xbf16>
          %bitcast3A_167 = vector.bitcast %gather3A_165 : vector<16xi32> to vector<32xbf16>
          %max3A = arith.maximumf %bitcast3A, %bitcast3A_167 : vector<32xbf16>
          %bitcast3A_168 = vector.bitcast %max3A : vector<32xbf16> to vector<16xi32>
          %bitcast3A_169 = vector.bitcast %gather3A_164 : vector<16xi32> to vector<32xbf16>
          %bitcast3A_170 = vector.bitcast %gather3A_166 : vector<16xi32> to vector<32xbf16>
          %max3A_171 = arith.maximumf %bitcast3A_169, %bitcast3A_170 : vector<32xbf16>
          %bitcast3A_172 = vector.bitcast %max3A_171 : vector<32xbf16> to vector<16xi32>
          tpu.vector_store_idx %arg9[%and3A_154], %bitcast3A_168 : memref<5024xi32, #tpu.memory_space<vmem>>[vector<16xi32>], vector<16xi32>,
          tpu.vector_store_idx %arg10[%and3A_154], %bitcast3A_172 : memref<5024xi32, #tpu.memory_space<vmem>>[vector<16xi32>], vector<16xi32>,
          %shift_right_arithmetic3A_173 = arith.constant 13 : i32
          %shift_right_arithmetic3A_174 = vector.broadcast %shift_right_arithmetic3A_173 : i32 to vector<16xi32>
          %shift_right_arithmetic3A_175 = arith.shrsi %get3A_162, %shift_right_arithmetic3A_174 : vector<16xi32>
          %and3A_176 = arith.constant 8191 : i32
          %and3A_177 = vector.broadcast %and3A_176 : i32 to vector<16xi32>
          %and3A_178 = arith.andi %get3A_162, %and3A_177 : vector<16xi32>
          %mul3A_179 = arith.constant 2 : i32
          %mul3A_180 = arith.muli %mul3A_179, %while3A_148 : i32
          %add3A_181 = arith.constant 2 : i32
          %add3A_182 = arith.addi %mul3A_180, %add3A_181 : i32
          %mul3A_183 = arith.constant 16 : i32
          %mul3A_184 = arith.muli %add3A_182, %mul3A_183 : i32
          %get3A_185 = arith.index_cast %mul3A_184 : i32 to index
          %get3A_186 = tpu.vector_load %arg15[%get3A_185] {strides = array<i32>} : memref<16400xi32, #tpu.memory_space<vmem>>, vector<16xi32>,
          %gather3A_187 = tpu.vector_load_idx %arg7[%shift_right_arithmetic3A_175] : memref<10000xi32, #tpu.memory_space<vmem>>[vector<16xi32>], vector<16xi32>,
          %gather3A_188 = tpu.vector_load_idx %arg8[%shift_right_arithmetic3A_175] : memref<10000xi32, #tpu.memory_space<vmem>>[vector<16xi32>], vector<16xi32>,
          %gather3A_189 = tpu.vector_load_idx %arg9[%and3A_178] : memref<5024xi32, #tpu.memory_space<vmem>>[vector<16xi32>], vector<16xi32>,
          %gather3A_190 = tpu.vector_load_idx %arg10[%and3A_178] : memref<5024xi32, #tpu.memory_space<vmem>>[vector<16xi32>], vector<16xi32>,
          %bitcast3A_191 = vector.bitcast %gather3A_187 : vector<16xi32> to vector<32xbf16>
          %bitcast3A_192 = vector.bitcast %gather3A_189 : vector<16xi32> to vector<32xbf16>
          %max3A_193 = arith.maximumf %bitcast3A_191, %bitcast3A_192 : vector<32xbf16>
          %bitcast3A_194 = vector.bitcast %max3A_193 : vector<32xbf16> to vector<16xi32>
          %bitcast3A_195 = vector.bitcast %gather3A_188 : vector<16xi32> to vector<32xbf16>
          %bitcast3A_196 = vector.bitcast %gather3A_190 : vector<16xi32> to vector<32xbf16>
          %max3A_197 = arith.maximumf %bitcast3A_195, %bitcast3A_196 : vector<32xbf16>
          %bitcast3A_198 = vector.bitcast %max3A_197 : vector<32xbf16> to vector<16xi32>
          tpu.vector_store_idx %arg9[%and3A_178], %bitcast3A_194 : memref<5024xi32, #tpu.memory_space<vmem>>[vector<16xi32>], vector<16xi32>,
          tpu.vector_store_idx %arg10[%and3A_178], %bitcast3A_198 : memref<5024xi32, #tpu.memory_space<vmem>>[vector<16xi32>], vector<16xi32>,
          scf.yield %get3A_186 : vector<16xi32>
        }
        %while3A_146 = arith.constant 1 : i32
        %while3A_147 = scf.for %while3A_148 = %while3A_143 to %while3A_139 step %while3A_146 iter_args(%while3A_149 = %while3A_145) -> (vector<16xi32>)  : i32 {
          %shift_right_arithmetic3A = arith.constant 13 : i32
          %shift_right_arithmetic3A_150 = vector.broadcast %shift_right_arithmetic3A : i32 to vector<16xi32>
          %shift_right_arithmetic3A_151 = arith.shrsi %while3A_149, %shift_right_arithmetic3A_150 : vector<16xi32>
          %and3A_152 = arith.constant 8191 : i32
          %and3A_153 = vector.broadcast %and3A_152 : i32 to vector<16xi32>
          %and3A_154 = arith.andi %while3A_149, %and3A_153 : vector<16xi32>
          %mul3A_155 = arith.constant 2 : i32
          %mul3A_156 = arith.muli %mul3A_155, %while3A_148 : i32
          %add3A_157 = arith.constant 1 : i32
          %add3A_158 = arith.addi %mul3A_156, %add3A_157 : i32
          %mul3A_159 = arith.constant 16 : i32
          %mul3A_160 = arith.muli %add3A_158, %mul3A_159 : i32
          %get3A_161 = arith.index_cast %mul3A_160 : i32 to index
          %get3A_162 = tpu.vector_load %arg15[%get3A_161] {strides = array<i32>} : memref<16400xi32, #tpu.memory_space<vmem>>, vector<16xi32>,
          %gather3A_163 = tpu.vector_load_idx %arg7[%shift_right_arithmetic3A_151] : memref<10000xi32, #tpu.memory_space<vmem>>[vector<16xi32>], vector<16xi32>,
          %gather3A_164 = tpu.vector_load_idx %arg8[%shift_right_arithmetic3A_151] : memref<10000xi32, #tpu.memory_space<vmem>>[vector<16xi32>], vector<16xi32>,
          %gather3A_165 = tpu.vector_load_idx %arg9[%and3A_154] : memref<5024xi32, #tpu.memory_space<vmem>>[vector<16xi32>], vector<16xi32>,
          %gather3A_166 = tpu.vector_load_idx %arg10[%and3A_154] : memref<5024xi32, #tpu.memory_space<vmem>>[vector<16xi32>], vector<16xi32>,
          %bitcast3A = vector.bitcast %gather3A_163 : vector<16xi32> to vector<32xbf16>
          %bitcast3A_167 = vector.bitcast %gather3A_165 : vector<16xi32> to vector<32xbf16>
          %max3A = arith.maximumf %bitcast3A, %bitcast3A_167 : vector<32xbf16>
          %bitcast3A_168 = vector.bitcast %max3A : vector<32xbf16> to vector<16xi32>
          %bitcast3A_169 = vector.bitcast %gather3A_164 : vector<16xi32> to vector<32xbf16>
          %bitcast3A_170 = vector.bitcast %gather3A_166 : vector<16xi32> to vector<32xbf16>
          %max3A_171 = arith.maximumf %bitcast3A_169, %bitcast3A_170 : vector<32xbf16>
          %bitcast3A_172 = vector.bitcast %max3A_171 : vector<32xbf16> to vector<16xi32>
          tpu.vector_store_idx %arg9[%and3A_154], %bitcast3A_168 : memref<5024xi32, #tpu.memory_space<vmem>>[vector<16xi32>], vector<16xi32>,
          tpu.vector_store_idx %arg10[%and3A_154], %bitcast3A_172 : memref<5024xi32, #tpu.memory_space<vmem>>[vector<16xi32>], vector<16xi32>,
          %shift_right_arithmetic3A_173 = arith.constant 13 : i32
          %shift_right_arithmetic3A_174 = vector.broadcast %shift_right_arithmetic3A_173 : i32 to vector<16xi32>
          %shift_right_arithmetic3A_175 = arith.shrsi %get3A_162, %shift_right_arithmetic3A_174 : vector<16xi32>
          %and3A_176 = arith.constant 8191 : i32
          %and3A_177 = vector.broadcast %and3A_176 : i32 to vector<16xi32>
          %and3A_178 = arith.andi %get3A_162, %and3A_177 : vector<16xi32>
          %mul3A_179 = arith.constant 2 : i32
          %mul3A_180 = arith.muli %mul3A_179, %while3A_148 : i32
          %add3A_181 = arith.constant 2 : i32
          %add3A_182 = arith.addi %mul3A_180, %add3A_181 : i32
          %mul3A_183 = arith.constant 16 : i32
          %mul3A_184 = arith.muli %add3A_182, %mul3A_183 : i32
          %get3A_185 = arith.index_cast %mul3A_184 : i32 to index
          %get3A_186 = tpu.vector_load %arg15[%get3A_185] {strides = array<i32>} : memref<16400xi32, #tpu.memory_space<vmem>>, vector<16xi32>,
          %gather3A_187 = tpu.vector_load_idx %arg7[%shift_right_arithmetic3A_175] : memref<10000xi32, #tpu.memory_space<vmem>>[vector<16xi32>], vector<16xi32>,
          %gather3A_188 = tpu.vector_load_idx %arg8[%shift_right_arithmetic3A_175] : memref<10000xi32, #tpu.memory_space<vmem>>[vector<16xi32>], vector<16xi32>,
          %gather3A_189 = tpu.vector_load_idx %arg9[%and3A_178] : memref<5024xi32, #tpu.memory_space<vmem>>[vector<16xi32>], vector<16xi32>,
          %gather3A_190 = tpu.vector_load_idx %arg10[%and3A_178] : memref<5024xi32, #tpu.memory_space<vmem>>[vector<16xi32>], vector<16xi32>,
          %bitcast3A_191 = vector.bitcast %gather3A_187 : vector<16xi32> to vector<32xbf16>
          %bitcast3A_192 = vector.bitcast %gather3A_189 : vector<16xi32> to vector<32xbf16>
          %max3A_193 = arith.maximumf %bitcast3A_191, %bitcast3A_192 : vector<32xbf16>
          %bitcast3A_194 = vector.bitcast %max3A_193 : vector<32xbf16> to vector<16xi32>
          %bitcast3A_195 = vector.bitcast %gather3A_188 : vector<16xi32> to vector<32xbf16>
          %bitcast3A_196 = vector.bitcast %gather3A_190 : vector<16xi32> to vector<32xbf16>
          %max3A_197 = arith.maximumf %bitcast3A_195, %bitcast3A_196 : vector<32xbf16>
          %bitcast3A_198 = vector.bitcast %max3A_197 : vector<32xbf16> to vector<16xi32>
          tpu.vector_store_idx %arg9[%and3A_178], %bitcast3A_194 : memref<5024xi32, #tpu.memory_space<vmem>>[vector<16xi32>], vector<16xi32>,
          tpu.vector_store_idx %arg10[%and3A_178], %bitcast3A_198 : memref<5024xi32, #tpu.memory_space<vmem>>[vector<16xi32>], vector<16xi32>,
          scf.yield %get3A_186 : vector<16xi32>
        }
      } else {
      }
      %gt3A_113 = arith.constant 1024 : i32
      %gt3A_114 = arith.cmpi sgt, %reduce_max3A_107, %gt3A_113 : i32
      %convert_element_type3A_115 = arith.extui %gt3A_114 : i1 to i32
      %cond3A_116 = arith.constant 0 : i32
      %cond3A_117 = arith.cmpi ne, %convert_element_type3A_115, %cond3A_116 : i32
      scf.if %cond3A_117 {
        %broadcast_in_dim3A_119 = arith.constant true
        %broadcast_in_dim3A_120 = vector.broadcast %broadcast_in_dim3A_119 : i1 to vector<16xi1>
        %masked_cumsum3A = tpu.scan <sum>, %gather3A_99 masked %broadcast_in_dim3A_120 : vector<16xi32>, vector<16xi1> -> vector<16xi32>
        %sub3A = arith.subi %masked_cumsum3A, %gather3A_99 : vector<16xi32>
        %broadcast_in_dim3A_121 = arith.constant 0 : i32
        %broadcast_in_dim3A_122 = vector.broadcast %broadcast_in_dim3A_121 : i32 to vector<16xi32>
        %add3A_123 = arith.constant 0 : i32
        %add3A_124 = vector.broadcast %add3A_123 : i32 to vector<16xi32>
        %add3A_125 = arith.addi %broadcast_in_dim3A_122, %add3A_124 : vector<16xi32>
        %lt3A_126 = arith.cmpi slt, %add3A_125, %gather3A_99 : vector<16xi32>
        %add3A_127 = arith.addi %sub3A, %add3A_125 : vector<16xi32>
        %gather3A_128 = tpu.vector_load_idx %arg13[%add3A_127] masked %lt3A_126 : memref<10000xi32, #tpu.memory_space<vmem>>[vector<16xi32>], vector<16xi32>, vector<16xi1>
        %while3A = arith.constant 0 : i32
        %while3A_129 = arith.subi %reduce_max3A_107, %while3A : i32
        %while3A_130 = arith.addi %while3A, %while3A_129 : i32
        %while3A_131 = arith.constant 1 : i32
        %while3A_132 = arith.divsi %while3A_129, %while3A_131 : i32
        %while3A_133 = arith.muli %while3A_132, %while3A_131 : i32
        %while3A_134 = arith.addi %while3A, %while3A_133 : i32
        %while3A_135 = arith.constant 1 : i32
        %while3A_136:2 = scf.for %while3A_139 = %while3A to %while3A_134 step %while3A_135 iter_args(%while3A_140 = %gather3A_128, %while3A_141 = %lt3A_126) -> (vector<16xi32>, vector<16xi1>)  : i32 {
          %shift_right_arithmetic3A = arith.constant 13 : i32
          %shift_right_arithmetic3A_142 = vector.broadcast %shift_right_arithmetic3A : i32 to vector<16xi32>
          %shift_right_arithmetic3A_143 = arith.shrsi %while3A_140, %shift_right_arithmetic3A_142 : vector<16xi32>
          %and3A = arith.constant 8191 : i32
          %and3A_144 = vector.broadcast %and3A : i32 to vector<16xi32>
          %and3A_145 = arith.andi %while3A_140, %and3A_144 : vector<16xi32>
          %add3A_146 = arith.constant 1 : i32
          %add3A_147 = arith.addi %while3A_139, %add3A_146 : i32
          %broadcast_in_dim3A_148 = arith.constant 0 : i32
          %broadcast_in_dim3A_149 = vector.broadcast %broadcast_in_dim3A_148 : i32 to vector<16xi32>
          %add3A_150 = vector.broadcast %add3A_147 : i32 to vector<16xi32>
          %add3A_151 = arith.addi %broadcast_in_dim3A_149, %add3A_150 : vector<16xi32>
          %lt3A_152 = arith.cmpi slt, %add3A_151, %gather3A_99 : vector<16xi32>
          %add3A_153 = arith.addi %sub3A, %add3A_151 : vector<16xi32>
          %gather3A_154 = tpu.vector_load_idx %arg13[%add3A_153] masked %lt3A_152 : memref<10000xi32, #tpu.memory_space<vmem>>[vector<16xi32>], vector<16xi32>, vector<16xi1>
          %gather3A_155 = tpu.vector_load_idx %arg7[%shift_right_arithmetic3A_143] masked %while3A_141 : memref<10000xi32, #tpu.memory_space<vmem>>[vector<16xi32>], vector<16xi32>, vector<16xi1>
          %gather3A_156 = tpu.vector_load_idx %arg8[%shift_right_arithmetic3A_143] masked %while3A_141 : memref<10000xi32, #tpu.memory_space<vmem>>[vector<16xi32>], vector<16xi32>, vector<16xi1>
          %gather3A_157 = tpu.vector_load_idx %arg9[%and3A_145] masked %while3A_141 : memref<5024xi32, #tpu.memory_space<vmem>>[vector<16xi32>], vector<16xi32>, vector<16xi1>
          %gather3A_158 = tpu.vector_load_idx %arg10[%and3A_145] masked %while3A_141 : memref<5024xi32, #tpu.memory_space<vmem>>[vector<16xi32>], vector<16xi32>, vector<16xi1>
          %bitcast3A = vector.bitcast %gather3A_155 : vector<16xi32> to vector<32xbf16>
          %bitcast3A_159 = vector.bitcast %gather3A_157 : vector<16xi32> to vector<32xbf16>
          %max3A = arith.maximumf %bitcast3A, %bitcast3A_159 : vector<32xbf16>
          %bitcast3A_160 = vector.bitcast %max3A : vector<32xbf16> to vector<16xi32>
          %bitcast3A_161 = vector.bitcast %gather3A_156 : vector<16xi32> to vector<32xbf16>
          %bitcast3A_162 = vector.bitcast %gather3A_158 : vector<16xi32> to vector<32xbf16>
          %max3A_163 = arith.maximumf %bitcast3A_161, %bitcast3A_162 : vector<32xbf16>
          %bitcast3A_164 = vector.bitcast %max3A_163 : vector<32xbf16> to vector<16xi32>
          tpu.vector_store_idx %arg9[%and3A_145], %bitcast3A_160 masked %while3A_141 : memref<5024xi32, #tpu.memory_space<vmem>>[vector<16xi32>], vector<16xi32>, vector<16xi1>
          tpu.vector_store_idx %arg10[%and3A_145], %bitcast3A_164 masked %while3A_141 : memref<5024xi32, #tpu.memory_space<vmem>>[vector<16xi32>], vector<16xi32>, vector<16xi1>
          scf.yield %gather3A_154, %lt3A_152 : vector<16xi32>, vector<16xi1>
        }
        %while3A_137 = arith.constant 1 : i32
        %while3A_138:2 = scf.for %while3A_139 = %while3A_134 to %while3A_130 step %while3A_137 iter_args(%while3A_140 = %while3A_136#0, %while3A_141 = %while3A_136#1) -> (vector<16xi32>, vector<16xi1>)  : i32 {
          %shift_right_arithmetic3A = arith.constant 13 : i32
          %shift_right_arithmetic3A_142 = vector.broadcast %shift_right_arithmetic3A : i32 to vector<16xi32>
          %shift_right_arithmetic3A_143 = arith.shrsi %while3A_140, %shift_right_arithmetic3A_142 : vector<16xi32>
          %and3A = arith.constant 8191 : i32
          %and3A_144 = vector.broadcast %and3A : i32 to vector<16xi32>
          %and3A_145 = arith.andi %while3A_140, %and3A_144 : vector<16xi32>
          %add3A_146 = arith.constant 1 : i32
          %add3A_147 = arith.addi %while3A_139, %add3A_146 : i32
          %broadcast_in_dim3A_148 = arith.constant 0 : i32
          %broadcast_in_dim3A_149 = vector.broadcast %broadcast_in_dim3A_148 : i32 to vector<16xi32>
          %add3A_150 = vector.broadcast %add3A_147 : i32 to vector<16xi32>
          %add3A_151 = arith.addi %broadcast_in_dim3A_149, %add3A_150 : vector<16xi32>
          %lt3A_152 = arith.cmpi slt, %add3A_151, %gather3A_99 : vector<16xi32>
          %add3A_153 = arith.addi %sub3A, %add3A_151 : vector<16xi32>
          %gather3A_154 = tpu.vector_load_idx %arg13[%add3A_153] masked %lt3A_152 : memref<10000xi32, #tpu.memory_space<vmem>>[vector<16xi32>], vector<16xi32>, vector<16xi1>
          %gather3A_155 = tpu.vector_load_idx %arg7[%shift_right_arithmetic3A_143] masked %while3A_141 : memref<10000xi32, #tpu.memory_space<vmem>>[vector<16xi32>], vector<16xi32>, vector<16xi1>
          %gather3A_156 = tpu.vector_load_idx %arg8[%shift_right_arithmetic3A_143] masked %while3A_141 : memref<10000xi32, #tpu.memory_space<vmem>>[vector<16xi32>], vector<16xi32>, vector<16xi1>
          %gather3A_157 = tpu.vector_load_idx %arg9[%and3A_145] masked %while3A_141 : memref<5024xi32, #tpu.memory_space<vmem>>[vector<16xi32>], vector<16xi32>, vector<16xi1>
          %gather3A_158 = tpu.vector_load_idx %arg10[%and3A_145] masked %while3A_141 : memref<5024xi32, #tpu.memory_space<vmem>>[vector<16xi32>], vector<16xi32>, vector<16xi1>
          %bitcast3A = vector.bitcast %gather3A_155 : vector<16xi32> to vector<32xbf16>
          %bitcast3A_159 = vector.bitcast %gather3A_157 : vector<16xi32> to vector<32xbf16>
          %max3A = arith.maximumf %bitcast3A, %bitcast3A_159 : vector<32xbf16>
          %bitcast3A_160 = vector.bitcast %max3A : vector<32xbf16> to vector<16xi32>
          %bitcast3A_161 = vector.bitcast %gather3A_156 : vector<16xi32> to vector<32xbf16>
          %bitcast3A_162 = vector.bitcast %gather3A_158 : vector<16xi32> to vector<32xbf16>
          %max3A_163 = arith.maximumf %bitcast3A_161, %bitcast3A_162 : vector<32xbf16>
          %bitcast3A_164 = vector.bitcast %max3A_163 : vector<32xbf16> to vector<16xi32>
          tpu.vector_store_idx %arg9[%and3A_145], %bitcast3A_160 masked %while3A_141 : memref<5024xi32, #tpu.memory_space<vmem>>[vector<16xi32>], vector<16xi32>, vector<16xi1>
          tpu.vector_store_idx %arg10[%and3A_145], %bitcast3A_164 masked %while3A_141 : memref<5024xi32, #tpu.memory_space<vmem>>[vector<16xi32>], vector<16xi32>, vector<16xi1>
          scf.yield %gather3A_154, %lt3A_152 : vector<16xi32>, vector<16xi1>
        }
      } else {
      }
      %scan3A_118 = arith.constant 0 : i32
      scf.yield %scan3A_118 : i32
    }
    %scan3A_29 = arith.constant 16 : i32
    "tpu.region"() ({
      %run_scoped3A = tpu.sem_alloc : memref<!tpu.dma_semaphore, #tpu.memory_space<semaphore_mem>>
      %dma_start3A_32 = arith.constant 0 : i32
      %dma_start3A_33 = tpu.memref_slice %arg6[%mul3A_2, %dma_start3A_32] : memref<64x5024xi32, #tpu.memory_space<hbm>> -> memref<1x5024xi32, #tpu.memory_space<hbm>>
      %dma_start3A_34 = tpu.memref_squeeze %dma_start3A_33 : memref<1x5024xi32, #tpu.memory_space<hbm>> -> memref<5024xi32, #tpu.memory_space<hbm>>
      %dma_start3A_35 = arith.constant 0 : i32
      %dma_start3A_36 = tpu.memref_slice %arg6[%mul3A_2, %dma_start3A_35] : memref<64x5024xi32, #tpu.memory_space<hbm>> -> memref<1x5024xi32, #tpu.memory_space<hbm>>
      %dma_start3A_37 = tpu.memref_squeeze %dma_start3A_36 : memref<1x5024xi32, #tpu.memory_space<hbm>> -> memref<5024xi32, #tpu.memory_space<hbm>>
      tpu.enqueue_dma source(%arg9 : memref<5024xi32, #tpu.memory_space<vmem>>) target(%dma_start3A_37 : memref<5024xi32, #tpu.memory_space<hbm>>) target_semaphore(%run_scoped3A : memref<!tpu.dma_semaphore, #tpu.memory_space<semaphore_mem>>)
      %dma_wait3A = arith.constant 0 : i32
      %dma_wait3A_38 = tpu.memref_slice %arg6[%mul3A_2, %dma_wait3A] : memref<64x5024xi32, #tpu.memory_space<hbm>> -> memref<1x5024xi32, #tpu.memory_space<hbm>>
      %dma_wait3A_39 = tpu.memref_squeeze %dma_wait3A_38 : memref<1x5024xi32, #tpu.memory_space<hbm>> -> memref<5024xi32, #tpu.memory_space<hbm>>
      %dma_wait3A_40 = arith.constant 0 : i32
      %dma_wait3A_41 = tpu.memref_slice %arg6[%mul3A_2, %dma_wait3A_40] : memref<64x5024xi32, #tpu.memory_space<hbm>> -> memref<1x5024xi32, #tpu.memory_space<hbm>>
      %dma_wait3A_42 = tpu.memref_squeeze %dma_wait3A_41 : memref<1x5024xi32, #tpu.memory_space<hbm>> -> memref<5024xi32, #tpu.memory_space<hbm>>
      tpu.wait_dma2 semaphore(%run_scoped3A : memref<!tpu.dma_semaphore, #tpu.memory_space<semaphore_mem>>) src(%arg9 : memref<5024xi32, #tpu.memory_space<vmem>>) dst(%dma_wait3A_42 : memref<5024xi32, #tpu.memory_space<hbm>>)
      tpu.yield
    }) : () -> ()
    %add3A_30 = arith.constant 1 : i32
    %add3A_31 = arith.addi %mul3A_2, %add3A_30 : i32
    "tpu.region"() ({
      %run_scoped3A = tpu.sem_alloc : memref<!tpu.dma_semaphore, #tpu.memory_space<semaphore_mem>>
      %dma_start3A_32 = arith.constant 0 : i32
      %dma_start3A_33 = tpu.memref_slice %arg6[%add3A_31, %dma_start3A_32] : memref<64x5024xi32, #tpu.memory_space<hbm>> -> memref<1x5024xi32, #tpu.memory_space<hbm>>
      %dma_start3A_34 = tpu.memref_squeeze %dma_start3A_33 : memref<1x5024xi32, #tpu.memory_space<hbm>> -> memref<5024xi32, #tpu.memory_space<hbm>>
      %dma_start3A_35 = arith.constant 0 : i32
      %dma_start3A_36 = tpu.memref_slice %arg6[%add3A_31, %dma_start3A_35] : memref<64x5024xi32, #tpu.memory_space<hbm>> -> memref<1x5024xi32, #tpu.memory_space<hbm>>
      %dma_start3A_37 = tpu.memref_squeeze %dma_start3A_36 : memref<1x5024xi32, #tpu.memory_space<hbm>> -> memref<5024xi32, #tpu.memory_space<hbm>>
      tpu.enqueue_dma source(%arg10 : memref<5024xi32, #tpu.memory_space<vmem>>) target(%dma_start3A_37 : memref<5024xi32, #tpu.memory_space<hbm>>) target_semaphore(%run_scoped3A : memref<!tpu.dma_semaphore, #tpu.memory_space<semaphore_mem>>)
      %dma_wait3A = arith.constant 0 : i32
      %dma_wait3A_38 = tpu.memref_slice %arg6[%add3A_31, %dma_wait3A] : memref<64x5024xi32, #tpu.memory_space<hbm>> -> memref<1x5024xi32, #tpu.memory_space<hbm>>
      %dma_wait3A_39 = tpu.memref_squeeze %dma_wait3A_38 : memref<1x5024xi32, #tpu.memory_space<hbm>> -> memref<5024xi32, #tpu.memory_space<hbm>>
      %dma_wait3A_40 = arith.constant 0 : i32
      %dma_wait3A_41 = tpu.memref_slice %arg6[%add3A_31, %dma_wait3A_40] : memref<64x5024xi32, #tpu.memory_space<hbm>> -> memref<1x5024xi32, #tpu.memory_space<hbm>>
      %dma_wait3A_42 = tpu.memref_squeeze %dma_wait3A_41 : memref<1x5024xi32, #tpu.memory_space<hbm>> -> memref<5024xi32, #tpu.memory_space<hbm>>
      tpu.wait_dma2 semaphore(%run_scoped3A : memref<!tpu.dma_semaphore, #tpu.memory_space<semaphore_mem>>) src(%arg10 : memref<5024xi32, #tpu.memory_space<vmem>>) dst(%dma_wait3A_42 : memref<5024xi32, #tpu.memory_space<hbm>>)
      tpu.yield
    }) : () -> ()
    return
  }
}

module attributes {stable_mosaic.version = 14 : i64} {
  func.func @_u_body(%arg0: i32, %arg1: memref<1000x128xf32, #tpu.memory_space<vmem>>, %arg2: memref<1000x3xf32, #tpu.memory_space<vmem>>, %arg3: memref<131x128xf32, #tpu.memory_space<vmem>>, %arg4: memref<1000x128xf32, #tpu.memory_space<vmem>>) attributes {dimension_semantics = [#tpu.dimension_semantics<arbitrary>], iteration_bounds = array<i64: 10>, scalar_prefetch = 0 : i64, scratch_operands = 0 : i64, tpu.core_type = #tpu.core_type<tc>, window_params = [{transform_indices = @transform_0, window_bounds = array<i64: 1000, 128>}, {transform_indices = @transform_1, window_bounds = array<i64: 1000, 3>}, {pipeline_mode = #tpu.pipeline_mode<synchronous>, transform_indices = @transform_2, window_bounds = array<i64: 131, 128>}, {transform_indices = @transform_3, window_bounds = array<i64: 1000, 128>}]} {
    %get3A = arith.constant 0 : index
    %get3A_0 = arith.constant 0 : index
    %get3A_1 = vector.load %arg1[%get3A, %get3A_0] : memref<1000x128xf32, #tpu.memory_space<vmem>>, vector<1000x128xf32>
    %get3A_2 = arith.constant 0 : index
    %get3A_3 = arith.constant 0 : index
    %get3A_4 = vector.load %arg3[%get3A_2, %get3A_3] : memref<131x128xf32, #tpu.memory_space<vmem>>, vector<128x128xf32>
    %dot_general3A = arith.constant dense<0.000000e+00> : vector<1000x128xf32>
    %dot_general3A_5 = tpu.matmul %get3A_1, %get3A_4, %dot_general3A {dimension_numbers = #tpu.dot_dimension_numbers<[1], [0], [0], [1], [0, 0, 1, 1], [], []>, transpose_lhs_hint = false} : vector<1000x128xf32>, vector<128x128xf32>, vector<1000x128xf32> -> vector<1000x128xf32>
    %get3A_6 = arith.constant 0 : index
    %get3A_7 = arith.constant 0 : index
    %get3A_8 = vector.load %arg2[%get3A_6, %get3A_7] : memref<1000x3xf32, #tpu.memory_space<vmem>>, vector<1000x3xf32>
    %get3A_9 = arith.constant 128 : index
    %get3A_10 = arith.constant 0 : index
    %get3A_11 = vector.load %arg3[%get3A_9, %get3A_10] : memref<131x128xf32, #tpu.memory_space<vmem>>, vector<3x128xf32>
    %dot_general3A_12 = arith.constant dense<0.000000e+00> : vector<1000x128xf32>
    %dot_general3A_13 = tpu.matmul %get3A_8, %get3A_11, %dot_general3A_12 {dimension_numbers = #tpu.dot_dimension_numbers<[1], [0], [0], [1], [0, 0, 1, 1], [], []>, transpose_lhs_hint = false} : vector<1000x3xf32>, vector<3x128xf32>, vector<1000x128xf32> -> vector<1000x128xf32>
    %add3A = arith.addf %dot_general3A_5, %dot_general3A_13 : vector<1000x128xf32>
    %swap3A = arith.constant 0 : index
    %swap3A_14 = arith.constant 0 : index
    %swap3A_15 = vector.load %arg4[%swap3A, %swap3A_14] : memref<1000x128xf32, #tpu.memory_space<vmem>>, vector<1000x128xf32>
    tpu.vector_store %arg4[%swap3A, %swap3A_14], %add3A {strides = array<i32>} : memref<1000x128xf32, #tpu.memory_space<vmem>>, vector<1000x128xf32>,
    return
  }
  func.func @transform_0(%arg0: i32) -> (i32, i32) {
    %c0_i32 = arith.constant 0 : i32
    %c0_i32_0 = arith.constant 0 : i32
    return %arg0, %c0_i32 : i32, i32
  }
  func.func @transform_1(%arg0: i32) -> (i32, i32) {
    %c0_i32 = arith.constant 0 : i32
    %c0_i32_0 = arith.constant 0 : i32
    return %arg0, %c0_i32 : i32, i32
  }
  func.func @transform_2(%arg0: i32) -> (i32, i32) {
    %c0_i32 = arith.constant 0 : i32
    %c0_i32_0 = arith.constant 0 : i32
    %c0_i32_1 = arith.constant 0 : i32
    return %c0_i32, %c0_i32_0 : i32, i32
  }
  func.func @transform_3(%arg0: i32) -> (i32, i32) {
    %c0_i32 = arith.constant 0 : i32
    %c0_i32_0 = arith.constant 0 : i32
    return %arg0, %c0_i32 : i32, i32
  }
}

module attributes {stable_mosaic.version = 14 : i64} {
  func.func @_ep_body(%arg0: i32, %arg1: memref<1000x128xf32, #tpu.memory_space<vmem>>, %arg2: memref<1000x3xf32, #tpu.memory_space<vmem>>, %arg3: memref<131x128xf32, #tpu.memory_space<vmem>>, %arg4: memref<128xf32, #tpu.memory_space<vmem>>, %arg5: memref<1000x128xf32, #tpu.memory_space<vmem>>) attributes {dimension_semantics = [#tpu.dimension_semantics<arbitrary>], iteration_bounds = array<i64: 5>, scalar_prefetch = 0 : i64, scratch_operands = 0 : i64, tpu.core_type = #tpu.core_type<tc>, window_params = [{transform_indices = @transform_0, window_bounds = array<i64: 1000, 128>}, {transform_indices = @transform_1, window_bounds = array<i64: 1000, 3>}, {pipeline_mode = #tpu.pipeline_mode<synchronous>, transform_indices = @transform_2, window_bounds = array<i64: 131, 128>}, {pipeline_mode = #tpu.pipeline_mode<synchronous>, transform_indices = @transform_3, window_bounds = array<i64: 128>}, {transform_indices = @transform_4, window_bounds = array<i64: 1000, 128>}]} {
    %get3A = arith.constant 0 : index
    %get3A_0 = arith.constant 0 : index
    %get3A_1 = vector.load %arg2[%get3A, %get3A_0] : memref<1000x3xf32, #tpu.memory_space<vmem>>, vector<1000x3xf32>
    %get3A_2 = arith.constant 128 : index
    %get3A_3 = arith.constant 0 : index
    %get3A_4 = vector.load %arg3[%get3A_2, %get3A_3] : memref<131x128xf32, #tpu.memory_space<vmem>>, vector<3x128xf32>
    %dot_general3A = arith.constant dense<0.000000e+00> : vector<1000x128xf32>
    %dot_general3A_5 = tpu.matmul %get3A_1, %get3A_4, %dot_general3A {dimension_numbers = #tpu.dot_dimension_numbers<[1], [0], [0], [1], [0, 0, 1, 1], [], []>, transpose_lhs_hint = false} : vector<1000x3xf32>, vector<3x128xf32>, vector<1000x128xf32> -> vector<1000x128xf32>
    %get3A_6 = arith.constant 0 : index
    %get3A_7 = arith.constant 0 : index
    %get3A_8 = vector.load %arg1[%get3A_6, %get3A_7] : memref<1000x128xf32, #tpu.memory_space<vmem>>, vector<1000x128xf32>
    %get3A_9 = arith.constant 0 : index
    %get3A_10 = vector.load %arg4[%get3A_9] : memref<128xf32, #tpu.memory_space<vmem>>, vector<128xf32>
    %broadcast_in_dim3A = vector.shape_cast %get3A_10 : vector<128xf32> to vector<1x128xf32>
    %sub3A = vector.broadcast %broadcast_in_dim3A : vector<1x128xf32> to vector<1000x128xf32>
    %sub3A_11 = arith.subf %sub3A, %dot_general3A_5 : vector<1000x128xf32>
    %add3A = arith.addf %get3A_8, %sub3A_11 : vector<1000x128xf32>
    %max3A = arith.constant 0.000000e+00 : f32
    %max3A_12 = vector.broadcast %max3A : f32 to vector<1000x128xf32>
    %max3A_13 = arith.maximumf %add3A, %max3A_12 : vector<1000x128xf32>
    %swap3A = arith.constant 0 : index
    %swap3A_14 = arith.constant 0 : index
    %swap3A_15 = vector.load %arg5[%swap3A, %swap3A_14] : memref<1000x128xf32, #tpu.memory_space<vmem>>, vector<1000x128xf32>
    tpu.vector_store %arg5[%swap3A, %swap3A_14], %max3A_13 {strides = array<i32>} : memref<1000x128xf32, #tpu.memory_space<vmem>>, vector<1000x128xf32>,
    return
  }
  func.func @transform_0(%arg0: i32) -> (i32, i32) {
    %c0_i32 = arith.constant 0 : i32
    %c0_i32_0 = arith.constant 0 : i32
    return %arg0, %c0_i32 : i32, i32
  }
  func.func @transform_1(%arg0: i32) -> (i32, i32) {
    %c0_i32 = arith.constant 0 : i32
    %c0_i32_0 = arith.constant 0 : i32
    return %arg0, %c0_i32 : i32, i32
  }
  func.func @transform_2(%arg0: i32) -> (i32, i32) {
    %c0_i32 = arith.constant 0 : i32
    %c0_i32_0 = arith.constant 0 : i32
    %c0_i32_1 = arith.constant 0 : i32
    return %c0_i32, %c0_i32_0 : i32, i32
  }
  func.func @transform_3(%arg0: i32) -> i32 {
    %c0_i32 = arith.constant 0 : i32
    %c0_i32_0 = arith.constant 0 : i32
    return %c0_i32 : i32
  }
  func.func @transform_4(%arg0: i32) -> (i32, i32) {
    %c0_i32 = arith.constant 0 : i32
    %c0_i32_0 = arith.constant 0 : i32
    return %arg0, %c0_i32 : i32, i32
  }
}

</mosaic_0001>

<sc_bundles>
// kernel: kernel.6.cloned.1.call-start
scs
__scs_entry_jumppad:
0x0: {  	(pc) =	sbr.rel $0x88, $3  }
0x1: {  	(tag) =	ssettag $0x0;
	lr =	simm.s32 $0x1  }
0x2: {  	[smem:$0x3F9B] =	sst lr;
	_ =	strace $0xD0000000  }
0x3: {  	_ = 	snop  }
0x4: {  	_ = 	snop  }
0x5: {  	_ = 	snop  }
0x6: {  	_ = 	snop  }
0x7: {  	_ = 	snop  }
__scs_overlays_trampoline_lowered:
0x8: {  	[smem:$0x3FAA] =	sst s0  }
0x9: {  	[smem:$0x3FAB] =	sst s1  }
0xa: {  	[smem:$0x3FAC] =	sst s2  }
0xb: {  	[smem:$0x3FAD] =	sst s3  }
0xc: {  	[smem:$0x3FAE] =	sst s4  }
0xd: {  	[smem:$0x3FAF] =	sst s5  }
0xe: {  	[smem:$0x3FB0] =	sst s6  }
0xf: {  	[smem:$0x3FB1] =	sst s7  }
0x10: {  	[smem:$0x3FB2] =	sst s8  }
0x11: {  	[smem:$0x3FB3] =	sst s9;
	s0 =	simm.s32 @!p0 $0x0  }
0x12: {  	s1 =	sld [smem:$0x3F99];
	s0 =	simm.s32 @p0 $0x1  }
0x13: {  	[smem:$0x3FB4] =	sst s0;
	s0 =	simm.s32 @!p1 $0x0  }
0x14: {  	s2 =	sld [smem:$0x3F98];
	s0 =	simm.s32 @p1 $0x1  }
0x15: {  	[smem:$0x3FB5] =	sst s0;
	s0 =	simm.s32 @!p2 $0x0  }
0x16: {  	s3 =	sld [smem:$0x3FDB];
	s0 =	simm.s32 @p2 $0x1  }
0x17: {  	s4 =	simm.s32 $0x1BF5;
	[smem:$0x3FB7] =	sst s0  }
0x18: {  	s0 =	sld [smem:$0x3F9A];
	_ =	swait.ge [sflag:s4], $0x0  }
0x19: {  	s7 =	sld [smem:$0x3F9B]  }
0x1a: {  	s8 =	sadd.s32 $0xFFFFE003, lr  }
0x1b: {  	s9 =	sadd.s32 $0xFFFFFEF7, lr;
	s5 =	simm.s32 $0xFFFFFFFF;
	p2 =	slt.u32 s8, $0xFFFFF086  }
0x1c: {  	p1 =	slt.u32 s9, $0xF7A;
	s5 =	simm.s32 @!p2 $0x0  }
0x1d: {  	s5 =	simm.s32 @p1 $0x1;
	p0 =	seq.s32 s7, s2  }
0x1e: {  	s7 =	smul.u32 @!p0 $0xF7A, s2;
	p2 =	seq.s32 @!p0 s5, $0x0  }
0x1f: {  	s9 =	smul.u32 $0xF7A, s1;
	s8 =	simm.s32 @!p0 $0x1BF5;
	p2 =	por !p2, p0  }
0x20: {  	[sflag:s8] =	ssyncset.s32 @!p0 $0xFFFFF086;
	s6 =	sadd.s32 @!p0 s3, s7;
	s7 =	simm.s32 @!p0 $0x108  }
0x21: {  	s3 =	sadd.s32 s3, s9;
	s6 =	sadd.s32 @!p0 $0x88, s6;
	s7 =	simm.s32 @p2 $0x1082  }
0x22: {  	[simem:s7], [sflag:s8] =	dma.local @!p0 [hbm:s6], $0xF7A  }
0x23: {  	s9 =	sor.u32 $0xD0000000, s2;
	s6 =	simm.s32 $0x108;
	_ =	swait.ge @!p0 [sflag:s8], $0x0  }
0x24: {  	s3 =	sadd.s32 $0x88, s3;
	s6 =	simm.s32 @!p1 $0x1082;
	[sflag:s4] =	ssyncset.s32 $0xFFFFF086  }
0x25: {  	[simem:s6], [sflag:s4] =	dma.local [hbm:s3], $0xF7A  }
0x26: {  	[smem:$0x3F9B] =	sst s1;
	(tag) =	ssettag s2;
	_ =	strace s9  }
0x27: {  	s1 =	sld [smem:$0x3FAB]  }
0x28: {  	s2 =	sld [smem:$0x3FAC]  }
0x29: {  	s4 =	sld [smem:$0x3FAE]  }
0x2a: {  	p0 =	seq.s32 s5, $0x0;
	s5 =	sld [smem:$0x3FAF]  }
0x2b: {  	s6 =	sld [smem:$0x3FB0]  }
0x2c: {  	s7 =	sld [smem:$0x3FB1]  }
0x2d: {  	s3 =	simm.s32 $0x108;
	s8 =	sld [smem:$0x3FB2]  }
0x2e: {  	s3 =	simm.s32 @!p0 $0x1082;
	s9 =	sld [smem:$0x3FB3]  }
0x2f: {  	lr =	sadd.s32 s0, s3;
	s0 =	sld [smem:$0x3FAA]  }
0x30: {  	s3 =	sld [smem:$0x3FAD]  }
0x31: {  	[smem:$0x3FB6] =	sst s10  }
0x32: {  	s10 =	sld [smem:$0x3FB4];
	_ =	sdelay $0x3  }
0x33: {  	p0 =	seq.s32 s10, $0x1;
	s10 =	sld [smem:$0x3FB6];
	_ =	sdelay $0x3  }
0x34: {  	[smem:$0x3FB6] =	sst s10  }
0x35: {  	s10 =	sld [smem:$0x3FB5];
	_ =	sdelay $0x3  }
0x36: {  	p1 =	seq.s32 s10, $0x1;
	s10 =	sld [smem:$0x3FB6];
	_ =	sdelay $0x3  }
0x37: {  	[smem:$0x3FB6] =	sst s10  }
0x38: {  	s10 =	sld [smem:$0x3FB7]  }
0x39: {  	_ = 	snop;
	(pc) =	sbr.ind lr, $3  }
0x3a: {  	_ = 	snop  }
0x3b: {  	_ = 	snop  }
0x3c: {  	p2 =	seq.s32 s10, $0x1;
	s10 =	sld [smem:$0x3FB6]  }
0x3d: {  	_ =	shalt  }
0x3e: {  	_ =	shalt  }
0x3f: {  	_ =	shalt  }
0x40: {  	_ =	shalt  }
0x41: {  	_ =	shalt  }
0x42: {  	_ =	shalt  }
0x43: {  	_ =	shalt  }
0x44: {  	_ =	shalt  }
0x45: {  	_ =	shalt  }
0x46: {  	_ =	shalt  }
0x47: {  	_ =	shalt  }
0x48: {  	_ =	shalt  }
0x49: {  	_ =	shalt  }
0x4a: {  	_ =	shalt  }
0x4b: {  	_ =	shalt  }
0x4c: {  	_ =	shalt  }
0x4d: {  	_ =	shalt  }
0x4e: {  	_ =	shalt  }
0x4f: {  	_ =	shalt  }
0x50: {  	_ =	shalt  }
0x51: {  	_ =	shalt  }
0x52: {  	_ =	shalt  }
0x53: {  	_ =	shalt  }
0x54: {  	_ =	shalt  }
0x55: {  	_ =	shalt  }
0x56: {  	_ =	shalt  }
0x57: {  	_ =	shalt  }
0x58: {  	_ =	shalt  }
0x59: {  	_ =	shalt  }
0x5a: {  	_ =	shalt  }
0x5b: {  	_ =	shalt  }
0x5c: {  	_ =	shalt  }
0x5d: {  	_ =	shalt  }
0x5e: {  	_ =	shalt  }
0x5f: {  	_ =	shalt  }
0x60: {  	_ =	shalt  }
0x61: {  	_ =	shalt  }
0x62: {  	_ =	shalt  }
0x63: {  	_ =	shalt  }
0x64: {  	_ =	shalt  }
0x65: {  	_ =	shalt  }
0x66: {  	_ =	shalt  }
0x67: {  	_ =	shalt  }
0x68: {  	_ =	shalt  }
0x69: {  	_ =	shalt  }
0x6a: {  	_ =	shalt  }
0x6b: {  	_ =	shalt  }
0x6c: {  	_ =	shalt  }
0x6d: {  	_ =	shalt  }
0x6e: {  	_ =	shalt  }
0x6f: {  	_ =	shalt  }
0x70: {  	_ =	shalt  }
0x71: {  	_ =	shalt  }
0x72: {  	_ =	shalt  }
0x73: {  	_ =	shalt  }
0x74: {  	_ =	shalt  }
0x75: {  	_ =	shalt  }
0x76: {  	_ =	shalt  }
0x77: {  	_ =	shalt  }
0x78: {  	_ =	shalt  }
0x79: {  	_ =	shalt  }
0x7a: {  	_ =	shalt  }
0x7b: {  	_ =	shalt  }
0x7c: {  	_ =	shalt  }
0x7d: {  	_ =	shalt  }
0x7e: {  	_ =	shalt  }
0x7f: {  	_ =	shalt  }
0x80: {  	_ =	shalt  }
0x81: {  	_ =	shalt  }
0x82: {  	_ =	shalt  }
0x83: {  	_ =	shalt  }
0x84: {  	_ =	shalt  }
0x85: {  	_ =	shalt  }
0x86: {  	_ =	shalt  }
0x87: {  	_ =	shalt  }
.Lfunc_end0:
.L_simem_size_0:
called_computation_lowered:
.L_overlay_start_0:
0x88: {  	s2 =	sld [smem:$0x3FD9]  }
0x89: {  	s3 =	sld [smem:$0x3FFE];
	_ =	sdelay $0x1  }
0x8a: {  	s1 =	srdreg.scid  }
0x8b: {  	s0 =	sand.u32 $0x1, s1  }
0x8c: {  	s14 =	sshll.u32 s0, $0xA;
	s2 =	sadd.s32 s3, s2  }
0x8d: {  	s2 =	sadd.s32 s2, s14  }
0x8e: {  	[smem:$0x3FC2] =	sst s2  }
0x8f: {  	_ = 	snop  }
0x90: {  	s2 =	sld [smem:$0x3FD0];
	_ =	sdelay $0x2  }
0x91: {  	s15 =	simm.s32 $0xA;
	s4 =	simm.s32 $0x10  }
0x92: {  	[smem:s4], [sflag:s15] =	dma.local [hbm:s2], $0x1  }
0x93: {  	_ =	swait.eq [sflag:s15], $0x1  }
0x94: {  	[sflag:s15] =	ssyncset.done $0x0  }
0x95: {  	s16 =	sld [smem:$0x10];
	[sflag:s15] =	ssyncadd.s32 $0xFFFFFFFF  }
0x96: {  	s17 =	sld [smem:$0x11];
	(tm) =	ssettm $0x1  }
0x97: {  	s18 =	sld [smem:$0x3FFB];
	_ =	sdelay $0x3  }
0x98: {  	_ =	strace s18  }
0x99: {  	s4 =	sld [smem:$0x3FFC];
	_ =	sdelay $0x3  }
0x9a: {  	_ =	strace s4  }
0x9b: {  	s4 =	sld [smem:$0x3FFD];
	_ =	sdelay $0x3  }
0x9c: {  	_ =	strace s4  }
0x9d: {  	_ =	strace $0x8FFFFFFF  }
0x9e: {  	s19 =	sld [smem:$0x3FDB];
	_ =	sdelay $0x1  }
0x9f: {  	s5 =	simm.s32 $_scs_section_size  }
0xa0: {  	s6 =	simm.s32 $_size__tile_overlayer_lowered;
	s7 =	simm.s32 $_tile_overlayer_lowered  }
0xa1: {  	s22 =	simm.s32 $0x1BFF;
	s21 =	sshll.u32 s7, $0x1;
	s4 =	sadd.s32 s5, s19  }
0xa2: {  	s8 =	simm.s32 $0x0;
	s20 =	sshll.u32 s6, $0x1;
	s6 =	sadd.s32 s21, s4  }
0xa3: {  	[timem:s8], [sflag:s22] =	dma.local [hbm:s6], s20  }
0xa4: {  	_ =	swait.ge [sflag:s22], s20  }
0xa5: {  	s5 =	ssub.s32 $0x0, s20;
	[sflag:s22] =	ssyncset.done $0x0  }
0xa6: {  	[sflag:s22] =	ssyncadd.s32 s5;
	_ =	sdelay $0x1  }
0xa7: {  	s23 =	simm.s32 $0x1B8B  }
0xa8: {  	_ =	swait.ge [sflag:s23], $0x1  }
0xa9: {  	[sflag:s23] =	ssyncset.done $0x0  }
0xaa: {  	s25 =	simm.s32 $0x1B8E;
	s24 =	sld [smem:$0x3FFE];
	[sflag:s23] =	ssyncadd.s32 $0xFFFFFFFF  }
0xab: {  	s26 =	simm.s32 $execute0_lowered;
	[smem:$0x3FD2] =	sst s25  }
0xac: {  	s6 =	sshll.u32 s26, $0x1;
	_ =	strace $0x80000046;
	[dreg:$0x1] =	wrdreg $0xFFFFFFFF  }
0xad: {  	s28 =	simm.s32 $_size_execute0_lowered;
	s4 =	sadd.s32 s4, s6;
	[dreg:$0x0] =	wrdreg $0x0  }
0xae: {  	s6 =	sshll.u32 s28, $0x1;
	[dreg:$0x2] =	wrdreg s4  }
0xaf: {  	[dreg:$0x3] =	wrdreg s6  }
0xb0: {  	[dreg:$0x4] =	wrdreg $0xC0  }
0xb1: {  	_ =	task [dreg:s8], $0x5FFFF  }
0xb2: {  	[dreg:$0x1] =	wrdreg $0xFFFFFFFF  }
0xb3: {  	[dreg:$0x0] =	wrdreg $0x60  }
0xb4: {  	[dreg:$0x2] =	wrdreg s24  }
0xb5: {  	[dreg:$0x3] =	wrdreg s16  }
0xb6: {  	[dreg:$0x4] =	wrdreg s17  }
0xb7: {  	[dreg:$0x5] =	wrdreg $0x9  }
0xb8: {  	_ =	task.clear_ibuf [dreg:s8], $0x6FFFF;
	_ =	strace $0x90000046  }
0xb9: {  	s29 =	simm.s32 $0x9;
	_ =	strace $0x80000048  }
0xba: {  	_ =	swait.ge [sflag:s29], $0x1  }
0xbb: {  	[sflag:s29] =	ssyncadd.s32 $0xFFFFFFFF  }
0xbc: {  	_ =	strace $0x90000048  }
0xbd: {  	_ =	sfence  }
0xbe: {  	s30 =	sld [smem:$0x0];
	_ =	sdelay $0x2  }
0xbf: {  	s31 =	sshll.u32 s1, $0xD;
	s1 =	sshrl.u32 s1, $0x2  }
0xc0: {  	s3 =	sand.u32 $0x4000, s31;
	s1 =	sadd.s32 s1, s30  }
0xc1: {  	s0 =	sor.u32 s3, s0;
	s1 =	sshll.u32 s1, $0x11  }
0xc2: {  	s0 =	sor.u32 s1, s0  }
0xc3: {  	s0 =	sadd.s32 $0x8F2B, s0  }
0xc4: {  	[sflag:s0] =	ssyncadd.remote.s32 $0x1  }
0xc5: {  	_ =	sfence.sel $0xFFFF  }
0xc6: {  	[dreg:$0x0] =	wrdreg $0xFFFFFFFF;
	(pc) =	sbr.abs _section_cstart, $3  }
0xc7: {  	[dreg:$0x1] =	wrdreg $0xFFFFFFFF  }
0xc8: {  	_ =	task.clear_ibuf [dreg:s8], $0x2FFFF;
	_ =	strace $0x9FFFFFFF  }
0xc9: {  	(tm) =	ssettm $0x7FFFFFFF  }
tec
execute0_lowered:
.L_overlay_start_1:
0x0: {  	(tag) =	ssettag $0x1  }
0x1: {  	s3 =	rddreg [dreg:$0x0]  }
0x2: {  	s6 =	rddreg [dreg:$0x1]  }
0x3: {  	s7 =	rddreg [dreg:$0x2];
	s1 =	simm.s32 $0x0  }
0x4: {  	[smem:$0x7FF] =	sst s1  }
0x5: {  	s0 =	rddreg [dreg:$0x3];
	v0 =	vimm.s32 $0x0;
	_ =	strace $0x80000047  }
0x6: {  	(xrf1) =	vunique.msk.u32 $0xffff, v0;
	_ =	sdelay $0xd  }
0x7: {  	_, v1, _ =	vpop (xrf1)  }
0x8: {  	v1 =	vxor.u32 $0x80000000, v1  }
0x9: {  	(xrf0) =	vmin.scan.msk.u32 $0xffff, v1;
	_ =	sdelay $0x5  }
0xa: {  	v1, _, _ =	vpop (xrf0)  }
0xb: {  	(v2sf) =	vpush v1, $0xF;
	_ =	sdelay $0x9  }
0xc: {  	s4 =	srdreg.scid  }
0xd: {  	s2 =	stileid.u32;
	s13 =	simm.s32 $0x4F00;
	s14 =	simm.s32 $0xB780  }
0xe: {  	s15 =	simm.s32 $0x7680;
	s4 =	sand.u32 $0x1, s4;
	s5 =	sshll.u32 s2, $0x1  }
0xf: {  	s16 =	simm.s32 $0x0;
	s5 =	sor.u32 s4, s5;
	s4 =	ssub.s32 $0x2, s4  }
0x10: {  	s8 =	smul.u32 $0x4E2, s5;
	s9 =	sshrl.u32 s4, $0x1;
	s11 =	sshll.u32 s5, $0xB  }
0x11: {  	s12 =	sshll.u32 s5, $0x4;
	s9 =	ssub.s32 s4, s9;
	s10 =	spop (v2sf)  }
0x12: {  	s6 =	sadd.s32 s6, s11;
	s7 =	sadd.s32 s7, s12;
	s10 =	sxor.u32 $0x80000000, s10  }
0x13: {  	s11 =	simm.s32 $0xB680;
	s12 =	simm.s32 $0xB700;
	s8 =	sadd.s32 s8, s3;
	v1 =	vmov s10  }
0x14: {  	v3 =	vlaneseq.u32;
	s3 =	sadd.s32 $0xAC00, s8;
	s4 =	sadd.s32 $0xE00, s8;
	s5 =	sadd.s32 $0x14A00, s8;
	v2 =	vsub.s32 $0x1, v1  }
0x15: {  	v3 =	vor.u32 $0x1390, v3;
	s8 =	smax.u32 s9, $0x1;
	s9 =	simm.s32 $0x1;
	s10 =	simm.s32 $0x2780;
	v2 =	vbroadcast v2, $0x0  }
.LBB2_1:
0x16: {  	[tilespmem:s1], [sflag:$0x1] =	stream.linear.gather [hbm4b:s3+s1], $0x2710, $0x38;
	[tilespmem:$0xB800] =	vst v63  }
0x17: {  	_ =	swait.ge [sflag:s9], $0x2710  }
0x18: {  	[sflag:s9] =	ssyncset.done $0x0  }
0x19: {  	[sflag:s9] =	ssyncadd.s32 $0xFFFFD8F0  }
0x1a: {  	[tilespmem:s10], [sflag:$0x1] =	stream.linear.gather [hbm4b:s4+s1], $0x2710, $0x38;
	[tilespmem:$0xB800] =	vst v63  }
0x1b: {  	_ =	swait.ge [sflag:s9], $0x2710  }
0x1c: {  	[sflag:s9] =	ssyncset.done $0x0  }
0x1d: {  	[sflag:s9] =	ssyncadd.s32 $0xFFFFD8F0  }
0x1e: {  	s18 =	simm.s32 $0x0;
	s17 =	simm.s32 $0x40;
	[tilespmem:$0xB680] =	vst v0  }
.LBB2_2:
0x1f: {  	p0 =	sne.s32 s17, $0x9C00;
	v4 =	vld [tilespmem:s18+$0x2780];
	_ =	sdelay $0x4  }
0x20: {  	v4 =	vand.u32 $0xF, v4  }
0x21: {  	(xrf1) =	vunique.msk.u32 $0xffff, v4;
	_ =	sdelay $0xd  }
0x22: {  	_, v5, vm0 =	vpop (xrf1);
	_ =	sdelay $0x1  }
.Ltmp0:
0x23: {  	(pc) =	sbr.rel @p0 .LBB2_2-.Ltmp0, $3  }
0x24: {  	_ =	sdelay $0x1  }
0x25: {  	v5 =	vadd.s32 v5, v2  }
0x26: {  	s18 =	sshra.s32 s17, $0x2;
	s17 =	sadd.s32 $0x40, s17;
	[tilespmem:v4+s11+$0x0] =	vst.idx.add.s32.msk vm0, v5  }
0x27: {  	v4 =	vld [tilespmem:s18+$0x2780];
	_ =	sdelay $0x4  }
0x28: {  	v4 =	vand.u32 $0xF, v4  }
0x29: {  	(xrf1) =	vunique.msk.u32 $0xffff, v4;
	_ =	sdelay $0xd  }
0x2a: {  	_, v5, vm0 =	vpop (xrf1);
	_ =	sdelay $0x4  }
0x2b: {  	v5 =	vadd.s32 v5, v2  }
0x2c: {  	[tilespmem:v4+s11+$0x0] =	vst.idx.add.s32.msk vm0, v5  }
0x2d: {  	v4 =	vld [tilespmem:$0xB680];
	_ =	sdelay $0x4  }
0x2e: {  	(xrf0) =	vadd.scan.msk.s32 $0xffff, v4;
	_ =	sdelay $0x5  }
0x2f: {  	v5, _, _ =	vpop (xrf0)  }
0x30: {  	v4 =	vsub.s32 v5, v4  }
0x31: {  	[tilespmem:$0xB700] =	vst v4  }
0x32: {  	s17 =	simm.s32 $0x0;
	s18 =	simm.s32 $0x40;
	s19 =	simm.s32 $0x0;
	[tilespmem:$0xB780] =	vst v4  }
.LBB2_4:
0x33: {  	p0 =	sne.s32 s18, $0xFFC0;
	[tilespmem:s19+$0x7680] =	vst v3;
	s19 =	smov.u32 s18;
	s18 =	sadd.s32 $0x40, s18  }
.Ltmp1:
0x34: {  	(pc) =	sbr.rel @p0 .LBB2_4-.Ltmp1, $2  }
0x35: {  	_ =	sdelay $0x2  }
0x36: {  	s19 =	sshra.s32 s19, $0x2  }
0x37: {  	[tilespmem:s19+$0x7680] =	vst v3  }
.LBB2_6:
0x38: {  	s18 =	sshra.s32 s17, $0x2  }
0x39: {  	v4 =	vld [tilespmem:s18+$0x2780];
	_ =	sdelay $0x4  }
0x3a: {  	v5 =	vand.u32 $0xF, v4  }
0x3b: {  	(xrf1) =	vunique.msk.u32 $0xffff, v5;
	_ =	sdelay $0xa  }
0x3c: {  	v6 =	vld.idx.msk [tilespmem:v5+s12+$0x0], $0xffff;
	_ =	sdelay $0x2  }
0x3d: {  	v7 =	vld [tilespmem:s18+$0x0];
	_, v8, vm0 =	vpop (xrf1)  }
0x3e: {  	v8 =	vsub.s32 v8, v1  }
0x3f: {  	v6 =	vadd.s32 v6, v8;
	_ =	sdelay $0x2  }
0x40: {  	v7 =	vshll.u32 v7, $0xD  }
0x41: {  	v4 =	vor.u32 v4, v7  }
0x42: {  	[tilespmem:v6+s13+$0x0] =	vst.idx.msk $0xffff, v4  }
0x43: {  	v62 =	vld.idx.msk [tilespmem:v5+s14+$0x0], $0xffff;
	_ =	sdelay $0x4  }
0x44: {  	v6 =	vsub.s32 v6, v62  }
0x45: {  	v7 =	vshll.u32 v6, $0x4;
	vm1 =	vlt.s32 v6, $0x400  }
0x46: {  	v63 =	vor.u32 v5, v7  }
0x47: {  	p0 =	sne.s32 s17, $0x9C00  }
.Ltmp2:
0x48: {  	_ = 	snop;
	(pc) =	sbr.rel @p0 .LBB2_6-.Ltmp2, $3  }
0x49: {  	_ =	sdelay $0x1  }
0x4a: {  	[tilespmem:v63+s15+$0x0] =	vst.idx.msk vm1, v4;
	v4 =	vadd.s32 $0x1, v8  }
0x4b: {  	s17 =	sadd.s32 $0x40, s17;
	[tilespmem:v5+s12+$0x0] =	vst.idx.add.s32.msk vm0, v4  }
0x4c: {  	[hbm4b:s5+s1] =	stream.linear.scatter [tilespmem:s13], [sflag:$0x1], $0x2710, $0x38;
	[tilespmem:$0xB800] =	vst v63  }
0x4d: {  	_ =	swait.ge [sflag:s9], $0x2710  }
0x4e: {  	[sflag:s9] =	ssyncset.done $0x0  }
0x4f: {  	[sflag:s9] =	ssyncadd.s32 $0xFFFFD8F0  }
0x50: {  	[hbm4b:s6+s1] =	stream.linear.scatter [tilespmem:s15], [sflag:$0x1], $0x4000, $0x38;
	[tilespmem:$0xB800] =	vst v63  }
0x51: {  	s16 =	sadd.s32 $0x1, s16;
	_ =	swait.ge [sflag:s9], $0x4000  }
0x52: {  	p0 =	sne.s32 s16, s8;
	[sflag:s9] =	ssyncset.done $0x0  }
.Ltmp3:
0x53: {  	[sflag:s9] =	ssyncadd.s32 $0xFFFFC000;
	(pc) =	sbr.rel @p0 .LBB2_1-.Ltmp3, $4  }
0x54: {  	[hbm4b:s7+s1] =	stream.linear.scatter [tilespmem:s11], [sflag:$0x1], $0x80, $0x38;
	[tilespmem:$0xB800] =	vst v63  }
0x55: {  	_ =	swait.ge [sflag:s9], $0x80  }
0x56: {  	[sflag:s9] =	ssyncset.done $0x0  }
0x57: {  	[sflag:s9] =	ssyncadd.s32 $0xFFFFFF80  }
0x58: {  	_ =	sfence.sel $0x180000  }
0x59: {  	[bflag:$0x0] =	sbarrier.arrive $0xFFFF  }
0x5a: {  	p0 =	sne.s32 s2, $0x0;
	_ =	strace $0x90000047  }
0x5b: {  	s0 =	sadd.s32 @!p0 $0x100000, s0;
	[bflag:$0x2] =	sbarrier.arrive $0xFFFF  }
0x5c: {  	[sflag:s0] =	ssyncadd.tile.s32 @!p0 $0x1;
	_ =	shalt  }
.Lfunc_end2:
_tile_overlayer_lowered:
.L_overlay_start_2:
0x5d: {  	(tag) =	ssettag $0x2  }
0x5e: {  	s0 =	rddreg [dreg:$0x0];
	s2 =	stileid.u32  }
0x5f: {  	s1 =	rddreg [dreg:$0x1];
	p0 =	sne.s32 s2, $0x0  }
0x60: {  	s3 =	rddreg [dreg:$0x2];
	[bflag:$0x3] =	sbarrier.arrive $0xFFFF;
	s2 =	simm.s32 @!p0 $0x1C01  }
0x61: {  	[timem:s3], [sflag:s2] =	dma.local @!p0 [hbm:s0], s1  }
0x62: {  	s0 =	simm.s32 @!p0 $0x1  }
0x63: {  	_ =	swait.ge @!p0 [sflag:s0], s1  }
0x64: {  	s1 =	ssub.s32 @!p0 $0x0, s1;
	[sflag:s0] =	ssyncset.done @!p0 $0x0  }
0x65: {  	[sflag:s0] =	ssyncadd.s32 @!p0 s1  }
0x66: {  	[bflag:$0x3] =	sbarrier.arrive $0xFFFF  }
0x67: {  	_ =	shalt  }

// kernel: kernel.9.cloned.1.call-start
scs
__scs_entry_jumppad:
0x0: {  	(pc) =	sbr.rel $0x88, $3  }
0x1: {  	(tag) =	ssettag $0x0;
	lr =	simm.s32 $0x1  }
0x2: {  	[smem:$0x3F9B] =	sst lr;
	_ =	strace $0xD0000000  }
0x3: {  	_ = 	snop  }
0x4: {  	_ = 	snop  }
0x5: {  	_ = 	snop  }
0x6: {  	_ = 	snop  }
0x7: {  	_ = 	snop  }
__scs_overlays_trampoline_lowered:
0x8: {  	[smem:$0x3FAA] =	sst s0  }
0x9: {  	[smem:$0x3FAB] =	sst s1  }
0xa: {  	[smem:$0x3FAC] =	sst s2  }
0xb: {  	[smem:$0x3FAD] =	sst s3  }
0xc: {  	[smem:$0x3FAE] =	sst s4  }
0xd: {  	[smem:$0x3FAF] =	sst s5  }
0xe: {  	[smem:$0x3FB0] =	sst s6  }
0xf: {  	[smem:$0x3FB1] =	sst s7  }
0x10: {  	[smem:$0x3FB2] =	sst s8  }
0x11: {  	[smem:$0x3FB3] =	sst s9;
	s0 =	simm.s32 @!p0 $0x0  }
0x12: {  	s1 =	sld [smem:$0x3F99];
	s0 =	simm.s32 @p0 $0x1  }
0x13: {  	[smem:$0x3FB4] =	sst s0;
	s0 =	simm.s32 @!p1 $0x0  }
0x14: {  	s2 =	sld [smem:$0x3F98];
	s0 =	simm.s32 @p1 $0x1  }
0x15: {  	[smem:$0x3FB5] =	sst s0;
	s0 =	simm.s32 @!p2 $0x0  }
0x16: {  	s3 =	sld [smem:$0x3FDB];
	s0 =	simm.s32 @p2 $0x1  }
0x17: {  	s4 =	simm.s32 $0x1BF5;
	[smem:$0x3FB7] =	sst s0  }
0x18: {  	s0 =	sld [smem:$0x3F9A];
	_ =	swait.ge [sflag:s4], $0x0  }
0x19: {  	s7 =	sld [smem:$0x3F9B]  }
0x1a: {  	s8 =	sadd.s32 $0xFFFFE003, lr  }
0x1b: {  	s9 =	sadd.s32 $0xFFFFFEF7, lr;
	s5 =	simm.s32 $0xFFFFFFFF;
	p2 =	slt.u32 s8, $0xFFFFF086  }
0x1c: {  	p1 =	slt.u32 s9, $0xF7A;
	s5 =	simm.s32 @!p2 $0x0  }
0x1d: {  	s5 =	simm.s32 @p1 $0x1;
	p0 =	seq.s32 s7, s2  }
0x1e: {  	s7 =	smul.u32 @!p0 $0xF7A, s2;
	p2 =	seq.s32 @!p0 s5, $0x0  }
0x1f: {  	s9 =	smul.u32 $0xF7A, s1;
	s8 =	simm.s32 @!p0 $0x1BF5;
	p2 =	por !p2, p0  }
0x20: {  	[sflag:s8] =	ssyncset.s32 @!p0 $0xFFFFF086;
	s6 =	sadd.s32 @!p0 s3, s7;
	s7 =	simm.s32 @!p0 $0x108  }
0x21: {  	s3 =	sadd.s32 s3, s9;
	s6 =	sadd.s32 @!p0 $0x88, s6;
	s7 =	simm.s32 @p2 $0x1082  }
0x22: {  	[simem:s7], [sflag:s8] =	dma.local @!p0 [hbm:s6], $0xF7A  }
0x23: {  	s9 =	sor.u32 $0xD0000000, s2;
	s6 =	simm.s32 $0x108;
	_ =	swait.ge @!p0 [sflag:s8], $0x0  }
0x24: {  	s3 =	sadd.s32 $0x88, s3;
	s6 =	simm.s32 @!p1 $0x1082;
	[sflag:s4] =	ssyncset.s32 $0xFFFFF086  }
0x25: {  	[simem:s6], [sflag:s4] =	dma.local [hbm:s3], $0xF7A  }
0x26: {  	[smem:$0x3F9B] =	sst s1;
	(tag) =	ssettag s2;
	_ =	strace s9  }
0x27: {  	s1 =	sld [smem:$0x3FAB]  }
0x28: {  	s2 =	sld [smem:$0x3FAC]  }
0x29: {  	s4 =	sld [smem:$0x3FAE]  }
0x2a: {  	p0 =	seq.s32 s5, $0x0;
	s5 =	sld [smem:$0x3FAF]  }
0x2b: {  	s6 =	sld [smem:$0x3FB0]  }
0x2c: {  	s7 =	sld [smem:$0x3FB1]  }
0x2d: {  	s3 =	simm.s32 $0x108;
	s8 =	sld [smem:$0x3FB2]  }
0x2e: {  	s3 =	simm.s32 @!p0 $0x1082;
	s9 =	sld [smem:$0x3FB3]  }
0x2f: {  	lr =	sadd.s32 s0, s3;
	s0 =	sld [smem:$0x3FAA]  }
0x30: {  	s3 =	sld [smem:$0x3FAD]  }
0x31: {  	[smem:$0x3FB6] =	sst s10  }
0x32: {  	s10 =	sld [smem:$0x3FB4];
	_ =	sdelay $0x3  }
0x33: {  	p0 =	seq.s32 s10, $0x1;
	s10 =	sld [smem:$0x3FB6];
	_ =	sdelay $0x3  }
0x34: {  	[smem:$0x3FB6] =	sst s10  }
0x35: {  	s10 =	sld [smem:$0x3FB5];
	_ =	sdelay $0x3  }
0x36: {  	p1 =	seq.s32 s10, $0x1;
	s10 =	sld [smem:$0x3FB6];
	_ =	sdelay $0x3  }
0x37: {  	[smem:$0x3FB6] =	sst s10  }
0x38: {  	s10 =	sld [smem:$0x3FB7]  }
0x39: {  	_ = 	snop;
	(pc) =	sbr.ind lr, $3  }
0x3a: {  	_ = 	snop  }
0x3b: {  	_ = 	snop  }
0x3c: {  	p2 =	seq.s32 s10, $0x1;
	s10 =	sld [smem:$0x3FB6]  }
0x3d: {  	_ =	shalt  }
0x3e: {  	_ =	shalt  }
0x3f: {  	_ =	shalt  }
0x40: {  	_ =	shalt  }
0x41: {  	_ =	shalt  }
0x42: {  	_ =	shalt  }
0x43: {  	_ =	shalt  }
0x44: {  	_ =	shalt  }
0x45: {  	_ =	shalt  }
0x46: {  	_ =	shalt  }
0x47: {  	_ =	shalt  }
0x48: {  	_ =	shalt  }
0x49: {  	_ =	shalt  }
0x4a: {  	_ =	shalt  }
0x4b: {  	_ =	shalt  }
0x4c: {  	_ =	shalt  }
0x4d: {  	_ =	shalt  }
0x4e: {  	_ =	shalt  }
0x4f: {  	_ =	shalt  }
0x50: {  	_ =	shalt  }
0x51: {  	_ =	shalt  }
0x52: {  	_ =	shalt  }
0x53: {  	_ =	shalt  }
0x54: {  	_ =	shalt  }
0x55: {  	_ =	shalt  }
0x56: {  	_ =	shalt  }
0x57: {  	_ =	shalt  }
0x58: {  	_ =	shalt  }
0x59: {  	_ =	shalt  }
0x5a: {  	_ =	shalt  }
0x5b: {  	_ =	shalt  }
0x5c: {  	_ =	shalt  }
0x5d: {  	_ =	shalt  }
0x5e: {  	_ =	shalt  }
0x5f: {  	_ =	shalt  }
0x60: {  	_ =	shalt  }
0x61: {  	_ =	shalt  }
0x62: {  	_ =	shalt  }
0x63: {  	_ =	shalt  }
0x64: {  	_ =	shalt  }
0x65: {  	_ =	shalt  }
0x66: {  	_ =	shalt  }
0x67: {  	_ =	shalt  }
0x68: {  	_ =	shalt  }
0x69: {  	_ =	shalt  }
0x6a: {  	_ =	shalt  }
0x6b: {  	_ =	shalt  }
0x6c: {  	_ =	shalt  }
0x6d: {  	_ =	shalt  }
0x6e: {  	_ =	shalt  }
0x6f: {  	_ =	shalt  }
0x70: {  	_ =	shalt  }
0x71: {  	_ =	shalt  }
0x72: {  	_ =	shalt  }
0x73: {  	_ =	shalt  }
0x74: {  	_ =	shalt  }
0x75: {  	_ =	shalt  }
0x76: {  	_ =	shalt  }
0x77: {  	_ =	shalt  }
0x78: {  	_ =	shalt  }
0x79: {  	_ =	shalt  }
0x7a: {  	_ =	shalt  }
0x7b: {  	_ =	shalt  }
0x7c: {  	_ =	shalt  }
0x7d: {  	_ =	shalt  }
0x7e: {  	_ =	shalt  }
0x7f: {  	_ =	shalt  }
0x80: {  	_ =	shalt  }
0x81: {  	_ =	shalt  }
0x82: {  	_ =	shalt  }
0x83: {  	_ =	shalt  }
0x84: {  	_ =	shalt  }
0x85: {  	_ =	shalt  }
0x86: {  	_ =	shalt  }
0x87: {  	_ =	shalt  }
.Lfunc_end0:
.L_simem_size_0:
called_computation.1_lowered:
.L_overlay_start_0:
0x88: {  	s2 =	sld [smem:$0x3FD9]  }
0x89: {  	s3 =	sld [smem:$0x3FFE];
	_ =	sdelay $0x1  }
0x8a: {  	s1 =	srdreg.scid  }
0x8b: {  	s0 =	sand.u32 $0x1, s1  }
0x8c: {  	s14 =	sshll.u32 s0, $0xA;
	s2 =	sadd.s32 s3, s2  }
0x8d: {  	s2 =	sadd.s32 s2, s14  }
0x8e: {  	[smem:$0x3FC2] =	sst s2  }
0x8f: {  	_ = 	snop  }
0x90: {  	s2 =	sld [smem:$0x3FD0];
	_ =	sdelay $0x2  }
0x91: {  	s15 =	simm.s32 $0xA;
	s4 =	simm.s32 $0x10  }
0x92: {  	[smem:s4], [sflag:s15] =	dma.local [hbm:s2], $0x1  }
0x93: {  	_ =	swait.eq [sflag:s15], $0x1  }
0x94: {  	[sflag:s15] =	ssyncset.done $0x0  }
0x95: {  	[sflag:s15] =	ssyncadd.s32 $0xFFFFFFFF  }
0x96: {  	s16 =	sld [smem:$0x10];
	(tm) =	ssettm $0x1  }
0x97: {  	s17 =	sld [smem:$0x3FFB];
	_ =	sdelay $0x3  }
0x98: {  	_ =	strace s17  }
0x99: {  	s3 =	sld [smem:$0x3FFC];
	_ =	sdelay $0x3  }
0x9a: {  	_ =	strace s3  }
0x9b: {  	s3 =	sld [smem:$0x3FFD];
	_ =	sdelay $0x3  }
0x9c: {  	_ =	strace s3  }
0x9d: {  	_ =	strace $0x8FFFFFFF  }
0x9e: {  	s18 =	sld [smem:$0x3FDB];
	_ =	sdelay $0x1  }
0x9f: {  	s19 =	simm.s32 $_scs_section_size  }
0xa0: {  	s5 =	simm.s32 $_size__tile_overlayer_lowered;
	s6 =	simm.s32 $_tile_overlayer_lowered  }
0xa1: {  	s22 =	simm.s32 $0x1BFF;
	s21 =	sshll.u32 s6, $0x1;
	s3 =	sadd.s32 s19, s18  }
0xa2: {  	s7 =	simm.s32 $0x0;
	s20 =	sshll.u32 s5, $0x1;
	s5 =	sadd.s32 s21, s3  }
0xa3: {  	[timem:s7], [sflag:s22] =	dma.local [hbm:s5], s20  }
0xa4: {  	_ =	swait.ge [sflag:s22], s20  }
0xa5: {  	s4 =	ssub.s32 $0x0, s20;
	[sflag:s22] =	ssyncset.done $0x0  }
0xa6: {  	[sflag:s22] =	ssyncadd.s32 s4;
	_ =	sdelay $0x1  }
0xa7: {  	s23 =	simm.s32 $0x1B8B  }
0xa8: {  	_ =	swait.ge [sflag:s23], $0x1  }
0xa9: {  	[sflag:s23] =	ssyncset.done $0x0  }
0xaa: {  	s25 =	simm.s32 $0x1B8E;
	s24 =	sld [smem:$0x3FFE];
	[sflag:s23] =	ssyncadd.s32 $0xFFFFFFFF  }
0xab: {  	s26 =	simm.s32 $execute0_lowered;
	[smem:$0x3FD2] =	sst s25  }
0xac: {  	s5 =	sshll.u32 s26, $0x1;
	_ =	strace $0x80000049;
	[dreg:$0x1] =	wrdreg $0xFFFFFFFF  }
0xad: {  	s28 =	simm.s32 $_size_execute0_lowered;
	s3 =	sadd.s32 s3, s5;
	[dreg:$0x0] =	wrdreg $0x0  }
0xae: {  	s5 =	sshll.u32 s28, $0x1;
	[dreg:$0x2] =	wrdreg s3  }
0xaf: {  	[dreg:$0x3] =	wrdreg s5  }
0xb0: {  	[dreg:$0x4] =	wrdreg $0xC0  }
0xb1: {  	_ =	task [dreg:s7], $0x5FFFF  }
0xb2: {  	[dreg:$0x1] =	wrdreg $0xFFFFFFFF  }
0xb3: {  	[dreg:$0x0] =	wrdreg $0x60  }
0xb4: {  	[dreg:$0x2] =	wrdreg s24  }
0xb5: {  	[dreg:$0x3] =	wrdreg s16  }
0xb6: {  	[dreg:$0x4] =	wrdreg $0x9  }
0xb7: {  	_ =	task.clear_ibuf [dreg:s7], $0x5FFFF;
	_ =	strace $0x90000049  }
0xb8: {  	s29 =	simm.s32 $0x9;
	_ =	strace $0x8000004B  }
0xb9: {  	_ =	swait.ge [sflag:s29], $0x1  }
0xba: {  	[sflag:s29] =	ssyncadd.s32 $0xFFFFFFFF  }
0xbb: {  	_ =	strace $0x9000004B  }
0xbc: {  	_ =	sfence  }
0xbd: {  	s30 =	sld [smem:$0x0];
	_ =	sdelay $0x2  }
0xbe: {  	s31 =	sshll.u32 s1, $0xD;
	s1 =	sshrl.u32 s1, $0x2  }
0xbf: {  	s3 =	sand.u32 $0x4000, s31;
	s1 =	sadd.s32 s1, s30  }
0xc0: {  	s0 =	sor.u32 s3, s0;
	s1 =	sshll.u32 s1, $0x11  }
0xc1: {  	s0 =	sor.u32 s1, s0  }
0xc2: {  	s0 =	sadd.s32 $0x8F2B, s0  }
0xc3: {  	[sflag:s0] =	ssyncadd.remote.s32 $0x1  }
0xc4: {  	_ =	sfence.sel $0xFFFF  }
0xc5: {  	[dreg:$0x0] =	wrdreg $0xFFFFFFFF;
	(pc) =	sbr.abs _section_cstart, $3  }
0xc6: {  	[dreg:$0x1] =	wrdreg $0xFFFFFFFF  }
0xc7: {  	_ =	task.clear_ibuf [dreg:s7], $0x2FFFF;
	_ =	strace $0x9FFFFFFF  }
0xc8: {  	(tm) =	ssettm $0x7FFFFFFF  }
0xc9: {  	_ =	shalt  }
tec
execute0_lowered:
.L_overlay_start_1:
0x0: {  	(tag) =	ssettag $0x1  }
0x1: {  	s0 =	rddreg [dreg:$0x0]  }
0x2: {  	s1 =	rddreg [dreg:$0x1]  }
0x3: {  	s2 =	simm.s32 $0x0;
	s6 =	srdreg.scid;
	s3 =	stileid.u32  }
0x4: {  	s13 =	simm.s32 $0x5;
	s14 =	simm.s32 $0x2780;
	s15 =	simm.s32 $0x7700  }
0x5: {  	s16 =	simm.s32 $0x7900;
	s17 =	simm.s32 $0xC800;
	s18 =	simm.s32 $0xA080  }
0x6: {  	s19 =	simm.s32 $0x10880;
	s20 =	simm.s32 $0x1;
	s21 =	simm.s32 $0x3  }
0x7: {  	s22 =	simm.s32 $0x4F00;
	s23 =	simm.s32 $0x6300;
	s24 =	simm.s32 $0x2  }
0x8: {  	s25 =	simm.s32 $0x4;
	s26 =	simm.s32 $0x0;
	[smem:$0x7FF] =	sst s2  }
0x9: {  	s7 =	sadd.s32 $0x1E800, s0;
	s4 =	sadd.s32 $0x14A00, s0;
	s5 =	sadd.s32 $0xE00, s0  }
0xa: {  	s6 =	sand.u32 $0x1, s6;
	s8 =	sshll.u32 s3, $0x9;
	s9 =	sshrl.u32 s3, $0x1  }
0xb: {  	s0 =	sadd.s32 $0x1000, s0;
	_ =	strace $0x8000004A;
	s10 =	sshll.u32 s6, $0x8  }
0xc: {  	s8 =	sand.u32 $0x200, s8;
	s11 =	smul.u32 $0x13C00, s9;
	s6 =	ssub.s32 $0x2, s6  }
0xd: {  	s9 =	smul.u32 $0xA000, s9;
	s8 =	sor.u32 s10, s8;
	s29 =	sshrl.u32 s6, $0x1  }
0xe: {  	s12 =	sor.u32 s11, s8;
	s10 =	ssub.s32 s6, s29;
	s31 =	sor.u32 $0x80, s8  }
.Ltmp0:
0xf: {  	s8 =	sor.u32 s9, s8;
	s30 =	sshrl.u32 s12, $0x3;
	(pc) =	sbr.rel .LBB2_1-.Ltmp0, $4  }
0x10: {  	s11 =	sor.u32 s11, s31;
	s8 =	sshrl.u32 s8, $0x3;
	s9 =	sor.u32 s9, s31  }
0x11: {  	s10 =	smax.u32 s10, $0x1;
	s12 =	simm.s32 $0x400;
	s6 =	sadd.s32 s7, s30  }
0x12: {  	s11 =	sshrl.u32 s11, $0x3;
	s8 =	sadd.s32 s0, s8;
	s9 =	sshrl.u32 s9, $0x3  }
0x13: {  	v0 =	vimm.s32 $0xFF80FF80;
	v1 =	vlaneseq.u32;
	s7 =	sadd.s32 s7, s11;
	s9 =	sadd.s32 s0, s9;
	s11 =	simm.s32 $0x80  }
.LBB2_25:
0x14: {  	[hbm4b:s8+s11] =	stream.strided.scatter [tilespmem:s22], [sflag:$0x5], $0x1400, s12, s11, $0x38;
	[tilespmem:$0x14900] =	vst v63  }
0x15: {  	s26 =	sadd.s32 $0x1, s26;
	_ =	swait.ge [sflag:s13], $0x1400  }
0x16: {  	p0 =	sne.s32 s26, s10;
	[sflag:s13] =	ssyncset.done $0x0  }
.Ltmp1:
0x17: {  	[sflag:s13] =	ssyncadd.s32 $0xFFFFEC00;
	(pc) =	sbr.rel @!p0 .LBB2_26-.Ltmp1, $4  }
0x18: {  	[hbm4b:s9+s11] =	stream.strided.scatter [tilespmem:s23], [sflag:$0x5], $0x1400, s12, s11, $0x38;
	[tilespmem:$0x14900] =	vst v63  }
0x19: {  	_ =	swait.ge [sflag:s13], $0x1400  }
0x1a: {  	[sflag:s13] =	ssyncset.done $0x0  }
0x1b: {  	[sflag:s13] =	ssyncadd.s32 $0xFFFFEC00  }
.LBB2_1:
0x1c: {  	[tilespmem:s2], [sflag:$0x5] =	stream.strided.gather [hbm4b:s6+s11], $0x2780, s12, s11, $0x38;
	[tilespmem:$0x14900] =	vst v63  }
0x1d: {  	_ =	swait.ge [sflag:s13], $0x2780  }
0x1e: {  	[sflag:s13] =	ssyncset.done $0x0  }
0x1f: {  	[sflag:s13] =	ssyncadd.s32 $0xFFFFD880  }
0x20: {  	[tilespmem:s14], [sflag:$0x5] =	stream.strided.gather [hbm4b:s7+s11], $0x2780, s12, s11, $0x38;
	[tilespmem:$0x14900] =	vst v63  }
0x21: {  	_ =	swait.ge [sflag:s13], $0x2780  }
0x22: {  	[sflag:s13] =	ssyncset.done $0x0  }
0x23: {  	[sflag:s13] =	ssyncadd.s32 $0xFFFFD880  }
0x24: {  	[tilespmem:s15], [sflag:$0x5] =	stream.linear.gather [hbm4b:s5+s2], $0x200, $0x38;
	[tilespmem:$0x14900] =	vst v63  }
0x25: {  	_ =	swait.ge [sflag:s13], $0x200  }
0x26: {  	[sflag:s13] =	ssyncset.done $0x0  }
0x27: {  	s0 =	simm.s32 $0x40;
	s28 =	simm.s32 $0x0;
	[sflag:s13] =	ssyncadd.s32 $0xFFFFFE00  }
.LBB2_2:
0x28: {  	p0 =	sne.s32 s0, $0x4E40;
	[tilespmem:s28+$0x4F00] =	vst v0;
	s29 =	smov.u32 s0;
	s0 =	sadd.s32 $0x40, s0  }
.Ltmp2:
0x29: {  	[tilespmem:s28+$0x6300] =	vst v0;
	(pc) =	sbr.rel @p0 .LBB2_2-.Ltmp2, $2  }
0x2a: {  	_ =	sdelay $0x2  }
0x2b: {  	s28 =	sshra.s32 s29, $0x2  }
.Ltmp3:
0x2c: {  	[tilespmem:s28+$0x4F00] =	vst v0;
	(pc) =	sbr.rel .LBB2_4-.Ltmp3, $4  }
0x2d: {  	[tilespmem:s28+$0x6300] =	vst v0;
	s28 =	simm.s32 $0x0  }
0x2e: {  	[tilespmem:s16], [sflag:$0x1] =	stream.linear.gather [hbm4b:s4+s28], $0x2710, $0x38;
	[tilespmem:$0x14900] =	vst v63  }
0x2f: {  	_ = 	snop  }
0x30: {  	[tilespmem:s17], [sflag:$0x3] =	stream.linear.gather [hbm4b:s1+s28], $0x4000, $0x38;
	[tilespmem:$0x14900] =	vst v63  }
.LBB2_20:
0x31: {  	_ = 	snop  }
.LBB2_23:
0x32: {  	_ =	sdelay $0x1  }
0x33: {  	v2 =	vand.u32 $0x1FFF, v6  }
0x34: {  	v4 =	vshra.s32 v6, $0xD  }
0x35: {  	v5 =	vmax.bf16 @p0 v5, v7  }
0x36: {  	[tilespmem:v3+s22+$0x0] =	vst.idx.msk @p0 vm1, v5  }
0x37: {  	[tilespmem:v3+s23+$0x0] =	vst.idx.msk @p0 vm1, v8  }
0x38: {  	v3 =	vld.idx.msk [tilespmem:v2+s23+$0x0], vm0  }
0x39: {  	v5 =	vld.idx.msk [tilespmem:v4+s2+$0x0], vm0  }
0x3a: {  	v63 =	vld.idx.msk [tilespmem:v2+s22+$0x0], vm0  }
0x3b: {  	v4 =	vld.idx.msk [tilespmem:v4+s14+$0x0], vm0;
	_ =	sdelay $0x3  }
0x3c: {  	v5 =	vmax.bf16 v5, v63  }
0x3d: {  	v3 =	vmax.bf16 v4, v3;
	[tilespmem:v2+s22+$0x0] =	vst.idx.msk vm0, v5  }
0x3e: {  	vm15 =	vmmov vm0;
	[tilespmem:v2+s23+$0x0] =	vst.idx.msk vm0, v3  }
.LBB2_24:
0x3f: {  	s28 =	sadd.s32 $0x1, s28  }
0x40: {  	p0 =	sne.s32 s28, $0x10  }
.Ltmp4:
0x41: {  	_ = 	snop;
	(pc) =	sbr.rel @!p0 .LBB2_25-.Ltmp4, $1  }
0x42: {  	_ =	sdelay $0x3  }
.LBB2_4:
0x43: {  	s29 =	sshllo.u32 s28, $0x1  }
0x44: {  	s0 =	smul.u32 $0x4E2, s29;
	_ =	sdelay $0x1  }
0x45: {  	s31 =	sshll.u32 s29, $0xB;
	s0 =	sadd.s32 s4, s0  }
0x46: {  	[tilespmem:s18], [sflag:$0x2] =	stream.linear.gather [hbm4b:s0+s2], $0x2710, $0x38;
	[tilespmem:$0x14900] =	vst v63  }
0x47: {  	s0 =	sadd.s32 s1, s31  }
0x48: {  	[tilespmem:s19], [sflag:$0x4] =	stream.linear.gather [hbm4b:s0+s2], $0x4000, $0x38;
	[tilespmem:$0x14900] =	vst v63  }
0x49: {  	s3 =	sshll.u32 s28, $0x5;
	_ =	swait.ge [sflag:s20], $0x2710  }
0x4a: {  	v2 =	vor.u32 s3, v1;
	[sflag:s20] =	ssyncset.done $0x0  }
0x4b: {  	[sflag:s20] =	ssyncadd.s32 $0xFFFFD8F0  }
0x4c: {  	_ =	swait.ge [sflag:s21], $0x4000  }
0x4d: {  	[sflag:s21] =	ssyncset.done $0x0  }
0x4e: {  	[sflag:s21] =	ssyncadd.s32 $0xFFFFC000  }
0x4f: {  	v2 =	vld.idx.msk [tilespmem:v2+s15+$0x0], $0xffff;
	_ =	sdelay $0x4  }
0x50: {  	v3 =	vxor.u32 $0x80000000, v2  }
0x51: {  	(xrf0) =	vmax.scan.msk.u32 $0xffff, v3;
	_ =	sdelay $0x5  }
0x52: {  	v3, _, _ =	vpop (xrf0)  }
0x53: {  	(v2sf) =	vpush v3, $0xF;
	_ =	sdelay $0xe  }
0x54: {  	s30 =	spop (v2sf)  }
0x55: {  	s31 =	sxor.u32 $0x80000000, s30  }
0x56: {  	p0 =	sgt.s32 s31, $0x400  }
.Ltmp5:
0x57: {  	_ = 	snop;
	(pc) =	sbr.rel @p0 .LBB2_9-.Ltmp5, $1  }
0x58: {  	_ =	sdelay $0x3  }
0x59: {  	s0 =	sadd.s32 $0x80000001, s30;
	p0 =	slt.s32 s30, $0xFFFFFFFF;
	s30 =	simm.s32 $0x1  }
0x5a: {  	s30 =	simm.s32 @!p0 $0x0;
	s31 =	sshra.s32 s0, $0x1F  }
0x5b: {  	s3 =	sand.u32 $0x1, s0;
	s30 =	sadd.s32 s30, s31  }
0x5c: {  	p1 =	seq.s32 s3, $0x1;
	p6 =	sne.s32 s30, $0x1  }
0x5d: {  	s31 =	sshrl.u32 s0, $0x1F;
	p0 =	por !p6, !p1  }
0x5e: {  	s0 =	sadd.s32 s31, s0;
	s30 =	simm.s32 $0x1;
	p0 =	por !p0, !p0  }
0x5f: {  	s0 =	sshra.s32 s0, $0x1;
	s30 =	simm.s32 @!p0 $0x0  }
0x60: {  	s0 =	ssub.s32 s0, s30  }
0x61: {  	p0 =	slt.s32 s0, $0x1  }
.Ltmp6:
0x62: {  	_ = 	snop;
	(pc) =	sbr.rel @p0 .LBB2_14-.Ltmp6, $1  }
0x63: {  	_ =	sdelay $0x3  }
0x64: {  	v2 =	vld [tilespmem:$0xC800];
	_ =	sdelay $0x4  }
0x65: {  	v3 =	vshra.s32 v2, $0xD  }
0x66: {  	v4 =	vand.u32 $0x1FFF, v2;
	_ =	sdelay $0x1  }
0x67: {  	s30 =	simm.s32 $0xC820  }
0x68: {  	v2 =	vld [tilespmem:s30+$0xFFFFFFF0]  }
0x69: {  	v5 =	vld.idx.msk [tilespmem:v3+s2+$0x0], $0xffff  }
0x6a: {  	v6 =	vld.idx.msk [tilespmem:v4+s23+$0x0], $0xffff  }
0x6b: {  	v7 =	vld.idx.msk [tilespmem:v4+s22+$0x0], $0xffff  }
0x6c: {  	v3 =	vld.idx.msk [tilespmem:v3+s14+$0x0], $0xffff;
	_ =	sdelay $0x2  }
0x6d: {  	v8 =	vshra.s32 v2, $0xD  }
0x6e: {  	v2 =	vand.u32 $0x1FFF, v2;
	v5 =	vmax.bf16 v5, v7  }
0x6f: {  	v3 =	vmax.bf16 v3, v6;
	[tilespmem:v4+s22+$0x0] =	vst.idx.msk $0xffff, v5  }
0x70: {  	p0 =	seq.s32 s0, $0x1;
	[tilespmem:v4+s23+$0x0] =	vst.idx.msk $0xffff, v3  }
.Ltmp7:
0x71: {  	v5 =	vld [tilespmem:s30+$0x0];
	(pc) =	sbr.rel @p0 .LBB2_8-.Ltmp7, $4  }
0x72: {  	v3 =	vld.idx.msk [tilespmem:v8+s2+$0x0], $0xffff  }
0x73: {  	v4 =	vld.idx.msk [tilespmem:v2+s23+$0x0], $0xffff  }
0x74: {  	v6 =	vld.idx.msk [tilespmem:v2+s22+$0x0], $0xffff  }
0x75: {  	s31 =	sadd.s32 $0xFFFFFFFF, s0;
	v7 =	vld.idx.msk [tilespmem:v8+s14+$0x0], $0xffff  }
.LBB2_7:
0x76: {  	p0 =	seq.s32 s31, $0x1;
	s31 =	sadd.s32 $0xFFFFFFFF, s31;
	s30 =	sadd.s32 $0x20, s30  }
0x77: {  	_ = 	snop  }
0x78: {  	v8 =	vshra.s32 v5, $0xD;
	v5 =	vand.u32 $0x1FFF, v5;
	_ =	sdelay $0x1  }
0x79: {  	v3 =	vmax.bf16 v3, v6  }
0x7a: {  	v4 =	vmax.bf16 v7, v4;
	[tilespmem:v2+s22+$0x0] =	vst.idx.msk $0xffff, v3  }
0x7b: {  	[tilespmem:v2+s23+$0x0] =	vst.idx.msk $0xffff, v4  }
0x7c: {  	v3 =	vld.idx.msk [tilespmem:v8+s2+$0x0], $0xffff  }
0x7d: {  	v4 =	vld.idx.msk [tilespmem:v5+s23+$0x0], $0xffff  }
0x7e: {  	v2 =	vld [tilespmem:s30+$0xFFFFFFF0]  }
0x7f: {  	v6 =	vld.idx.msk [tilespmem:v5+s22+$0x0], $0xffff  }
0x80: {  	v7 =	vld.idx.msk [tilespmem:v8+s14+$0x0], $0xffff;
	_ =	sdelay $0x2  }
0x81: {  	v8 =	vshra.s32 v2, $0xD;
	v2 =	vand.u32 $0x1FFF, v2;
	_ =	sdelay $0x1  }
0x82: {  	v3 =	vmax.bf16 v3, v6  }
0x83: {  	v4 =	vmax.bf16 v7, v4;
	[tilespmem:v5+s22+$0x0] =	vst.idx.msk $0xffff, v3  }
0x84: {  	[tilespmem:v5+s23+$0x0] =	vst.idx.msk $0xffff, v4  }
.Ltmp8:
0x85: {  	v5 =	vld [tilespmem:s30+$0x0];
	(pc) =	sbr.rel @!p0 .LBB2_7-.Ltmp8, $4  }
0x86: {  	v3 =	vld.idx.msk [tilespmem:v8+s2+$0x0], $0xffff  }
0x87: {  	v4 =	vld.idx.msk [tilespmem:v2+s23+$0x0], $0xffff  }
0x88: {  	v6 =	vld.idx.msk [tilespmem:v2+s22+$0x0], $0xffff  }
0x89: {  	v7 =	vld.idx.msk [tilespmem:v8+s14+$0x0], $0xffff  }
.LBB2_8:
0x8a: {  	_ = 	snop  }
.Ltmp9:
0x8b: {  	_ = 	snop;
	(pc) =	sbr.rel .LBB2_14-.Ltmp9, $4  }
0x8c: {  	_ = 	snop  }
0x8d: {  	v3 =	vmax.bf16 v3, v6  }
0x8e: {  	v4 =	vmax.bf16 v7, v4;
	[tilespmem:v2+s22+$0x0] =	vst.idx.msk $0xffff, v3  }
0x8f: {  	[tilespmem:v2+s23+$0x0] =	vst.idx.msk $0xffff, v4  }
.LBB2_9:
0x90: {  	(xrf0) =	vadd.scan.msk.s32 $0xffff, v2;
	_ =	sdelay $0x5  }
0x91: {  	vm0 =	vgt.s32 v2, $0x0;
	v3, _, _ =	vpop (xrf0)  }
0x92: {  	p1 =	sne.s32 s30, $0x80000001;
	v4 =	vsub.s32 v3, v2  }
.Ltmp10:
0x93: {  	_ = 	snop;
	(pc) =	sbr.rel @!p1 .LBB2_10-.Ltmp10, $2  }
0x94: {  	_ =	sdelay $0x2  }
0x95: {  	s31 =	simm.s32 $0x80000001;
	p0 =	por $0x0, $0x0;
	v6 =	vld.idx.msk [tilespmem:v4+s16+$0x0], vm0;
	vm0 =	vmmov vm0  }
0x96: {  	_ =	sdelay $0x2  }
0x97: {  	s0 =	simm.s32 $0x1  }
0x98: {  	v3 =	vand.u32 $0x1FFF, v6;
	v5 =	vshra.s32 v6, $0xD;
	v6 =	vmov s0  }
0x99: {  	vm2 =	vlt.s32 v6, v2  }
0x9a: {  	v6 =	vadd.s32 s0, v4;
	_ =	sdelay $0x2  }
0x9b: {  	v8 =	vld.idx.msk [tilespmem:v3+s23+$0x0], vm0  }
0x9c: {  	p1 =	sne.s32 s30, $0x80000002;
	v9 =	vld.idx.msk [tilespmem:v5+s14+$0x0], vm0  }
.Ltmp11:
0x9d: {  	v6 =	vld.idx.msk [tilespmem:v6+s16+$0x0], vm2;
	(pc) =	sbr.rel @!p1 .LBB2_13-.Ltmp11, $3  }
0x9e: {  	v5 =	vld.idx.msk [tilespmem:v5+s2+$0x0], vm0  }
0x9f: {  	vm1 =	vmmov vm0;
	v7 =	vld.idx.msk [tilespmem:v3+s22+$0x0], vm0;
	_ =	sdelay $0x1  }
0xa0: {  	p0 =	por $0x1, $0x1;
	s0 =	simm.s32 $0x80000002;
	vm0 =	vmmov vm2;
	v8 =	vmax.bf16 v9, v8  }
.LBB2_12:
0xa1: {  	v9 =	vshra.s32 v6, $0xD;
	s3 =	sadd.s32 $0x80000001, s31;
	v6 =	vand.u32 $0x1FFF, v6;
	s31 =	smov.u32 s0;
	s0 =	sadd.s32 $0x1, s0  }
0xa2: {  	p1 =	sne.s32 s30, s0;
	v10 =	vmov s3  }
0xa3: {  	v5 =	vmax.bf16 v5, v7;
	vm2 =	vlt.s32 v10, v2  }
0xa4: {  	v7 =	vadd.s32 s3, v4;
	[tilespmem:v3+s22+$0x0] =	vst.idx.msk vm1, v5  }
0xa5: {  	[tilespmem:v3+s23+$0x0] =	vst.idx.msk vm1, v8;
	v3 =	vmov v6;
	vm1 =	vmmov vm0  }
0xa6: {  	v8 =	vld.idx.msk [tilespmem:v6+s23+$0x0], vm0  }
0xa7: {  	v10 =	vld.idx.msk [tilespmem:v9+s14+$0x0], vm0  }
0xa8: {  	v5 =	vld.idx.msk [tilespmem:v9+s2+$0x0], vm0  }
.Ltmp12:
0xa9: {  	v6 =	vld.idx.msk [tilespmem:v7+s16+$0x0], vm2;
	(pc) =	sbr.rel @p1 .LBB2_12-.Ltmp12, $2  }
0xaa: {  	v7 =	vld.idx.msk [tilespmem:v3+s22+$0x0], vm0;
	vm0 =	vmmov vm2;
	_ =	sdelay $0x2  }
0xab: {  	v8 =	vmax.bf16 v10, v8  }
.LBB2_13:
0xac: {  	_ =	sdelay $0x1  }
0xad: {  	v2 =	vand.u32 $0x1FFF, v6  }
0xae: {  	v4 =	vshra.s32 v6, $0xD  }
0xaf: {  	v5 =	vmax.bf16 @p0 v5, v7  }
0xb0: {  	[tilespmem:v3+s22+$0x0] =	vst.idx.msk @p0 vm1, v5  }
0xb1: {  	[tilespmem:v3+s23+$0x0] =	vst.idx.msk @p0 vm1, v8  }
0xb2: {  	v3 =	vld.idx.msk [tilespmem:v2+s23+$0x0], vm0  }
0xb3: {  	v5 =	vld.idx.msk [tilespmem:v4+s2+$0x0], vm0  }
0xb4: {  	v63 =	vld.idx.msk [tilespmem:v2+s22+$0x0], vm0  }
0xb5: {  	v4 =	vld.idx.msk [tilespmem:v4+s14+$0x0], vm0;
	_ =	sdelay $0x3  }
0xb6: {  	v5 =	vmax.bf16 v5, v63  }
0xb7: {  	v3 =	vmax.bf16 v4, v3;
	[tilespmem:v2+s22+$0x0] =	vst.idx.msk vm0, v5  }
0xb8: {  	vm15 =	vmmov vm0;
	[tilespmem:v2+s23+$0x0] =	vst.idx.msk vm0, v3  }
.LBB2_14:
0xb9: {  	s0 =	sshll.u32 s28, $0x1;
	p0 =	seq.s32 s28, $0xF  }
0xba: {  	s0 =	sadd.s32 @!p0 $0x2, s0  }
0xbb: {  	s3 =	smul.u32 @!p0 $0x4E2, s0  }
0xbc: {  	s30 =	simm.s32 @!p0 $0x0  }
0xbd: {  	s31 =	simm.s32 @!p0 $0x7900;
	s0 =	sshll.u32 @!p0 s0, $0xB;
	s3 =	sadd.s32 @!p0 s4, s3  }
0xbe: {  	[tilespmem:s31], [sflag:$0x1] =	stream.linear.gather @!p0 [hbm4b:s3+s30], $0x2710, $0x38;
	[tilespmem:$0x14900] =	vst v63  }
0xbf: {  	s0 =	sadd.s32 @!p0 s1, s0;
	s3 =	simm.s32 @!p0 $0xC800  }
0xc0: {  	[tilespmem:s3], [sflag:$0x3] =	stream.linear.gather @!p0 [hbm4b:s0+s30], $0x4000, $0x38;
	[tilespmem:$0x14900] =	vst v63  }
0xc1: {  	s30 =	sshll.u32 s29, $0x4;
	_ =	swait.ge [sflag:s24], $0x2710  }
0xc2: {  	v2 =	vor.u32 s30, v1;
	[sflag:s24] =	ssyncset.done $0x0  }
0xc3: {  	[sflag:s24] =	ssyncadd.s32 $0xFFFFD8F0  }
0xc4: {  	_ =	swait.ge [sflag:s25], $0x4000  }
0xc5: {  	[sflag:s25] =	ssyncset.done $0x0  }
0xc6: {  	[sflag:s25] =	ssyncadd.s32 $0xFFFFC000  }
0xc7: {  	v2 =	vld.idx.msk [tilespmem:v2+s15+$0x0], $0xffff;
	_ =	sdelay $0x4  }
0xc8: {  	v3 =	vxor.u32 $0x80000000, v2  }
0xc9: {  	(xrf0) =	vmax.scan.msk.u32 $0xffff, v3;
	_ =	sdelay $0x5  }
0xca: {  	v3, _, _ =	vpop (xrf0)  }
0xcb: {  	(v2sf) =	vpush v3, $0xF;
	_ =	sdelay $0xe  }
0xcc: {  	s29 =	spop (v2sf)  }
0xcd: {  	s31 =	sxor.u32 $0x80000000, s29  }
0xce: {  	p0 =	sgt.s32 s31, $0x400  }
.Ltmp13:
0xcf: {  	_ = 	snop;
	(pc) =	sbr.rel @p0 .LBB2_19-.Ltmp13, $1  }
0xd0: {  	_ =	sdelay $0x3  }
0xd1: {  	s0 =	sadd.s32 $0x80000001, s29;
	p0 =	slt.s32 s29, $0xFFFFFFFF;
	s3 =	simm.s32 $0x1  }
0xd2: {  	s3 =	simm.s32 @!p0 $0x0;
	s31 =	sshra.s32 s0, $0x1F  }
0xd3: {  	s30 =	sand.u32 $0x1, s0;
	s3 =	sadd.s32 s3, s31  }
0xd4: {  	p1 =	seq.s32 s30, $0x1;
	p6 =	sne.s32 s3, $0x1  }
0xd5: {  	s31 =	sshrl.u32 s0, $0x1F;
	p0 =	por !p6, !p1  }
0xd6: {  	s0 =	sadd.s32 s31, s0;
	s3 =	simm.s32 $0x1;
	p0 =	por !p0, !p0  }
0xd7: {  	s0 =	sshra.s32 s0, $0x1;
	s3 =	simm.s32 @!p0 $0x0  }
0xd8: {  	s0 =	ssub.s32 s0, s3  }
0xd9: {  	p0 =	slt.s32 s0, $0x1  }
.Ltmp14:
0xda: {  	_ = 	snop;
	(pc) =	sbr.rel @p0 .LBB2_24-.Ltmp14, $1  }
0xdb: {  	_ =	sdelay $0x3  }
0xdc: {  	v2 =	vld [tilespmem:$0x10880];
	_ =	sdelay $0x4  }
0xdd: {  	v3 =	vshra.s32 v2, $0xD  }
0xde: {  	v4 =	vand.u32 $0x1FFF, v2;
	_ =	sdelay $0x1  }
0xdf: {  	s29 =	simm.s32 $0x108A0  }
0xe0: {  	v2 =	vld [tilespmem:s29+$0xFFFFFFF0]  }
0xe1: {  	v5 =	vld.idx.msk [tilespmem:v3+s2+$0x0], $0xffff  }
0xe2: {  	v6 =	vld.idx.msk [tilespmem:v4+s23+$0x0], $0xffff  }
0xe3: {  	v7 =	vld.idx.msk [tilespmem:v4+s22+$0x0], $0xffff  }
0xe4: {  	v3 =	vld.idx.msk [tilespmem:v3+s14+$0x0], $0xffff;
	_ =	sdelay $0x2  }
0xe5: {  	v8 =	vshra.s32 v2, $0xD  }
0xe6: {  	v2 =	vand.u32 $0x1FFF, v2;
	v5 =	vmax.bf16 v5, v7  }
0xe7: {  	v3 =	vmax.bf16 v3, v6;
	[tilespmem:v4+s22+$0x0] =	vst.idx.msk $0xffff, v5  }
0xe8: {  	p0 =	seq.s32 s0, $0x1;
	[tilespmem:v4+s23+$0x0] =	vst.idx.msk $0xffff, v3  }
.Ltmp15:
0xe9: {  	v5 =	vld [tilespmem:s29+$0x0];
	(pc) =	sbr.rel @p0 .LBB2_18-.Ltmp15, $4  }
0xea: {  	v3 =	vld.idx.msk [tilespmem:v8+s2+$0x0], $0xffff  }
0xeb: {  	v4 =	vld.idx.msk [tilespmem:v2+s23+$0x0], $0xffff  }
0xec: {  	v6 =	vld.idx.msk [tilespmem:v2+s22+$0x0], $0xffff  }
0xed: {  	s30 =	sadd.s32 $0xFFFFFFFF, s0;
	v7 =	vld.idx.msk [tilespmem:v8+s14+$0x0], $0xffff  }
.LBB2_17:
0xee: {  	p0 =	seq.s32 s30, $0x1;
	s30 =	sadd.s32 $0xFFFFFFFF, s30;
	s29 =	sadd.s32 $0x20, s29  }
0xef: {  	_ = 	snop  }
0xf0: {  	v8 =	vshra.s32 v5, $0xD;
	v5 =	vand.u32 $0x1FFF, v5;
	_ =	sdelay $0x1  }
0xf1: {  	v3 =	vmax.bf16 v3, v6  }
0xf2: {  	v4 =	vmax.bf16 v7, v4;
	[tilespmem:v2+s22+$0x0] =	vst.idx.msk $0xffff, v3  }
0xf3: {  	[tilespmem:v2+s23+$0x0] =	vst.idx.msk $0xffff, v4  }
0xf4: {  	v3 =	vld.idx.msk [tilespmem:v8+s2+$0x0], $0xffff  }
0xf5: {  	v4 =	vld.idx.msk [tilespmem:v5+s23+$0x0], $0xffff  }
0xf6: {  	v2 =	vld [tilespmem:s29+$0xFFFFFFF0]  }
0xf7: {  	v6 =	vld.idx.msk [tilespmem:v5+s22+$0x0], $0xffff  }
0xf8: {  	v7 =	vld.idx.msk [tilespmem:v8+s14+$0x0], $0xffff;
	_ =	sdelay $0x2  }
0xf9: {  	v8 =	vshra.s32 v2, $0xD;
	v2 =	vand.u32 $0x1FFF, v2;
	_ =	sdelay $0x1  }
0xfa: {  	v3 =	vmax.bf16 v3, v6  }
0xfb: {  	v4 =	vmax.bf16 v7, v4;
	[tilespmem:v5+s22+$0x0] =	vst.idx.msk $0xffff, v3  }
0xfc: {  	[tilespmem:v5+s23+$0x0] =	vst.idx.msk $0xffff, v4  }
.Ltmp16:
0xfd: {  	v5 =	vld [tilespmem:s29+$0x0];
	(pc) =	sbr.rel @!p0 .LBB2_17-.Ltmp16, $4  }
0xfe: {  	v3 =	vld.idx.msk [tilespmem:v8+s2+$0x0], $0xffff  }
0xff: {  	v4 =	vld.idx.msk [tilespmem:v2+s23+$0x0], $0xffff  }
0x100: {  	v6 =	vld.idx.msk [tilespmem:v2+s22+$0x0], $0xffff  }
0x101: {  	v7 =	vld.idx.msk [tilespmem:v8+s14+$0x0], $0xffff  }
.LBB2_18:
0x102: {  	_ = 	snop  }
.Ltmp17:
0x103: {  	_ = 	snop;
	(pc) =	sbr.rel .LBB2_24-.Ltmp17, $4  }
0x104: {  	_ = 	snop  }
0x105: {  	v3 =	vmax.bf16 v3, v6  }
0x106: {  	v4 =	vmax.bf16 v7, v4;
	[tilespmem:v2+s22+$0x0] =	vst.idx.msk $0xffff, v3  }
0x107: {  	[tilespmem:v2+s23+$0x0] =	vst.idx.msk $0xffff, v4  }
.LBB2_19:
0x108: {  	(xrf0) =	vadd.scan.msk.s32 $0xffff, v2;
	_ =	sdelay $0x5  }
0x109: {  	vm0 =	vgt.s32 v2, $0x0;
	v3, _, _ =	vpop (xrf0)  }
0x10a: {  	v4 =	vsub.s32 v3, v2;
	_ =	sdelay $0x1  }
0x10b: {  	p1 =	sne.s32 s29, $0x80000001  }
.Ltmp18:
0x10c: {  	_ = 	snop;
	(pc) =	sbr.rel @!p1 .LBB2_20-.Ltmp18, $3  }
0x10d: {  	_ = 	snop  }
0x10e: {  	v6 =	vld.idx.msk [tilespmem:v4+s18+$0x0], vm0;
	_ =	sdelay $0x1  }
0x10f: {  	s30 =	simm.s32 $0x80000001;
	p0 =	por $0x0, $0x0;
	vm0 =	vmmov vm0  }
0x110: {  	_ = 	snop  }
0x111: {  	s0 =	simm.s32 $0x1  }
0x112: {  	v3 =	vand.u32 $0x1FFF, v6;
	v5 =	vshra.s32 v6, $0xD;
	v6 =	vmov s0  }
0x113: {  	vm2 =	vlt.s32 v6, v2  }
0x114: {  	v6 =	vadd.s32 s0, v4;
	_ =	sdelay $0x2  }
0x115: {  	v8 =	vld.idx.msk [tilespmem:v3+s23+$0x0], vm0  }
0x116: {  	p1 =	sne.s32 s29, $0x80000002;
	v9 =	vld.idx.msk [tilespmem:v5+s14+$0x0], vm0  }
.Ltmp19:
0x117: {  	v6 =	vld.idx.msk [tilespmem:v6+s18+$0x0], vm2;
	(pc) =	sbr.rel @!p1 .LBB2_23-.Ltmp19, $3  }
0x118: {  	v5 =	vld.idx.msk [tilespmem:v5+s2+$0x0], vm0  }
0x119: {  	vm1 =	vmmov vm0;
	v7 =	vld.idx.msk [tilespmem:v3+s22+$0x0], vm0;
	_ =	sdelay $0x1  }
0x11a: {  	p0 =	por $0x1, $0x1;
	s0 =	simm.s32 $0x80000002;
	vm0 =	vmmov vm2;
	v8 =	vmax.bf16 v9, v8  }
.LBB2_22:
0x11b: {  	v9 =	vshra.s32 v6, $0xD;
	s3 =	sadd.s32 $0x80000001, s30;
	v6 =	vand.u32 $0x1FFF, v6;
	s30 =	smov.u32 s0;
	s0 =	sadd.s32 $0x1, s0  }
0x11c: {  	p1 =	sne.s32 s29, s0;
	v10 =	vmov s3  }
0x11d: {  	v5 =	vmax.bf16 v5, v7;
	vm2 =	vlt.s32 v10, v2  }
0x11e: {  	v7 =	vadd.s32 s3, v4;
	[tilespmem:v3+s22+$0x0] =	vst.idx.msk vm1, v5  }
0x11f: {  	[tilespmem:v3+s23+$0x0] =	vst.idx.msk vm1, v8;
	v3 =	vmov v6;
	vm1 =	vmmov vm0  }
0x120: {  	v8 =	vld.idx.msk [tilespmem:v6+s23+$0x0], vm0  }
0x121: {  	v10 =	vld.idx.msk [tilespmem:v9+s14+$0x0], vm0  }
0x122: {  	v5 =	vld.idx.msk [tilespmem:v9+s2+$0x0], vm0  }
.Ltmp20:
0x123: {  	v6 =	vld.idx.msk [tilespmem:v7+s18+$0x0], vm2;
	(pc) =	sbr.rel @p1 .LBB2_22-.Ltmp20, $2  }
0x124: {  	v7 =	vld.idx.msk [tilespmem:v3+s22+$0x0], vm0;
	vm0 =	vmmov vm2;
	_ =	sdelay $0x2  }
0x125: {  	v8 =	vmax.bf16 v10, v8  }
.Ltmp21:
0x126: {  	_ = 	snop;
	(pc) =	sbr.rel .LBB2_23-.Ltmp21, $1  }
0x127: {  	_ =	sdelay $0x3  }
.LBB2_10:
.Ltmp22:
0x128: {  	(pc) =	sbr.rel .LBB2_13-.Ltmp22, $2  }
0x129: {  	_ =	sdelay $0x2  }
0x12a: {  	_ = 	snop  }
.LBB2_26:
0x12b: {  	_ =	sfence.sel $0x180000  }
0x12c: {  	[bflag:$0x0] =	sbarrier.arrive $0xFFFF  }
0x12d: {  	_ =	strace $0x9000004A  }
0x12e: {  	s0 =	stileid.u32;
	[bflag:$0x2] =	sbarrier.arrive $0xFFFF  }
0x12f: {  	p0 =	sne.s32 s0, $0x0;
	s0 =	rddreg [dreg:$0x2]  }
0x130: {  	s0 =	sadd.s32 @!p0 $0x100000, s0  }
0x131: {  	[sflag:s0] =	ssyncadd.tile.s32 @!p0 $0x1;
	_ =	shalt  }
.Lfunc_end2:
_tile_overlayer_lowered:
.L_overlay_start_2:
0x132: {  	(tag) =	ssettag $0x2  }
0x133: {  	s0 =	rddreg [dreg:$0x0];
	s2 =	stileid.u32  }
0x134: {  	s1 =	rddreg [dreg:$0x1];
	p0 =	sne.s32 s2, $0x0  }
0x135: {  	s3 =	rddreg [dreg:$0x2];
	[bflag:$0x3] =	sbarrier.arrive $0xFFFF;
	s2 =	simm.s32 @!p0 $0x1C05  }
0x136: {  	[timem:s3], [sflag:s2] =	dma.local @!p0 [hbm:s0], s1  }
0x137: {  	s0 =	simm.s32 @!p0 $0x5  }
0x138: {  	_ =	swait.ge @!p0 [sflag:s0], s1  }
0x139: {  	s1 =	ssub.s32 @!p0 $0x0, s1;
	[sflag:s0] =	ssyncset.done @!p0 $0x0  }
0x13a: {  	[sflag:s0] =	ssyncadd.s32 @!p0 s1  }
0x13b: {  	[bflag:$0x3] =	sbarrier.arrive $0xFFFF  }
0x13c: {  	_ =	shalt  }

</sc_bundles>
